<compile_context>
chip_gen: v7x
topology: tpu7x:2x2x1
jax: 0.10.2.dev20260603
libtpu: 0.0.44.dev20260713+nightly
codegen_flags: <defaults>
</compile_context>

<pallas_src>
import functools

import jax
import jax.numpy as jnp
from jax import lax
from jax.experimental import pallas as pl
from jax.experimental.pallas import tpu as pltpu
from jax.experimental.pallas import tpu_sc as plsc

_B = 16384
_M = 21
_D = 64
_NC = 2
_NS = 16
_NW = _NC * _NS
_BW = _B // _NW
_CQ = 32
_NCHUNK = _BW // _CQ
_P = _CQ * _M
_IW = 112
_IR = _P // _IW


def _body(qidx_hbm, midx_hbm, itab_hbm, otab_hbm, out_hbm,
          qidx_v, midx_v, hid_v, mat_v, logit_v, stage_v, sem):
    cid = lax.axis_index("c")
    sid = lax.axis_index("s")
    wid = sid * _NC + cid
    lane = lax.iota(jnp.int32, 16)

    pltpu.sync_copy(qidx_hbm.at[pl.ds(wid * _NCHUNK, _NCHUNK)], qidx_v)
    pltpu.sync_copy(midx_hbm.at[pl.ds(wid * _NCHUNK * _IR, _NCHUNK * _IR)],
                    midx_v)

    @pl.loop(0, _NCHUNK)
    def _chunk(c):
        pltpu.async_copy(itab_hbm.at[qidx_v.at[c]], hid_v, sem).wait()
        for j in range(_IR):
            pltpu.async_copy(otab_hbm.at[midx_v.at[c * _IR + j]],
                             mat_v.at[pl.ds(j * _IW, _IW)], sem).wait()

        @pl.loop(0, _CQ)
        def _qloop(q):
            h0 = hid_v[q, pl.ds(0, 16)]
            h1 = hid_v[q, pl.ds(16, 16)]
            h2 = hid_v[q, pl.ds(32, 16)]
            h3 = hid_v[q, pl.ds(48, 16)]
            base = q * _M
            for g, cnt in ((0, 16), (16, _M - 16)):
                for i in range(cnt):
                    p = base + g + i
                    a = (mat_v[p, pl.ds(0, 16)] * h0
                         + mat_v[p, pl.ds(16, 16)] * h1
                         + mat_v[p, pl.ds(32, 16)] * h2
                         + mat_v[p, pl.ds(48, 16)] * h3)
                    stage_v[i, pl.ds(0, 16)] = a
                s = plsc.load_gather(stage_v, [lane, jnp.zeros((16,), jnp.int32)])
                for col in range(1, 16):
                    s = s + plsc.load_gather(
                        stage_v, [lane, jnp.full((16,), col, jnp.int32)])
                plsc.store_scatter(
                    logit_v, [jnp.full((16,), base + g, jnp.int32) + lane], s,
                    mask=(lane < cnt))

        pltpu.sync_copy(
            logit_v, out_hbm.at[pl.ds(wid * _BW * _M + c * _P, _P)])


@jax.jit
def _run(qflat, midx2d, itab, otab):
    mesh = plsc.VectorSubcoreMesh(
        core_axis_name="c", subcore_axis_name="s",
        num_cores=_NC, num_subcores=_NS)
    call = pl.kernel(
        _body,
        out_type=jax.ShapeDtypeStruct((_B * _M,), jnp.float32),
        mesh=mesh,
        compiler_params=pltpu.CompilerParams(
            needs_layout_passes=False, use_tc_tiling_on_sc=False),
        scratch_types=[
            pltpu.VMEM((_NCHUNK, _CQ), jnp.int32),
            pltpu.VMEM((_NCHUNK * _IR, _IW), jnp.int32),
            pltpu.VMEM((_CQ, _D), jnp.float32),
            pltpu.VMEM((_P, _D), jnp.float32),
            pltpu.VMEM((_P,), jnp.float32),
            pltpu.VMEM((16, 17), jnp.float32),
            pltpu.SemaphoreType.DMA,
        ],
    )
    return call(qflat, midx2d, itab, otab)


def kernel(query, match, input_table, output_table):
    qflat = query.astype(jnp.int32).reshape(_B // _CQ, _CQ)
    midx2d = match.astype(jnp.int32).reshape(_B * _M // _IW, _IW)
    out = _run(qflat, midx2d, input_table, output_table)
    return out.reshape(_B, _M)

# --- scband reference (transcript-rebuilt; emitter-appended) ---
"""Pipeline reference for scband-deep-walk-46746424049731 (READ-ONLY COPY).

The authoritative reference and input builder live on the scoring server;
editing this copy changes nothing except your own understanding.
"""

import jax, jax.numpy as jnp
import numpy as np

VOCAB = 1000000
DIM = 64
B = 16384
M = 21

def setup_inputs(seed: int = 0) -> dict:
    key = jax.random.key(seed)
    k1, k2, k3, k4 = jax.random.split(key, 4)
    query = jax.random.randint(k1, (B, 1), 0, VOCAB, dtype=jnp.int64) if jax.config.jax_enable_x64 else jax.random.randint(k1, (B, 1), 0, VOCAB).astype(jnp.int32)
    match = jax.random.randint(k2, (B, M), 0, VOCAB, dtype=jnp.int64) if jax.config.jax_enable_x64 else jax.random.randint(k2, (B, M), 0, VOCAB).astype(jnp.int32)
    # Keras Embedding default init: uniform(-0.05, 0.05)
    input_table = jax.random.uniform(k3, (VOCAB, DIM), minval=-0.05, maxval=0.05, dtype=jnp.float32)
    output_table = jax.random.uniform(k4, (VOCAB, DIM), minval=-0.05, maxval=0.05, dtype=jnp.float32)
    return {"query": query, "match": match, "input_table": input_table, "output_table": output_table}

def reference(query, match, input_table, output_table):
    # hidden = input_embedding(query): [B, 1, D]
    hidden = jnp.take(input_table, query, axis=0)
    # match_embedding = output_embedding(match): [B, M, D]
    match_embedding = jnp.take(output_table, match, axis=0)
    # logits = matmul(match_embedding, hidden, transpose_b=True): [B, M, 1]
    logits = jnp.matmul(match_embedding, jnp.swapaxes(hidden, -1, -2))
    # squeeze last axis -> [B, M]
    logits = jnp.squeeze(logits, axis=-1)
    return logits

if __name__ == "__main__":
    import jax
    _d = setup_inputs()
    print(jax.jit(kernel)(*tuple(_d.values())))

</pallas_src>

<mosaic_0001>
#map = affine_map<(d0, d1) -> (0, 0)>
#map1 = affine_map<(d0, d1) -> (0)>
module attributes {stable_mosaic.version = 14 : i64} {
  func.func @_body(%arg0: i32, %arg1: i32, %arg2: memref<512x32xi32, #tpu.memory_space<hbm>>, %arg3: memref<3072x112xi32, #tpu.memory_space<hbm>>, %arg4: memref<1000000x64xf32, #tpu.memory_space<hbm>>, %arg5: memref<1000000x64xf32, #tpu.memory_space<hbm>>, %arg6: memref<344064xf32, #tpu.memory_space<hbm>>, %arg7: memref<16x32xi32, #tpu.memory_space<vmem>>, %arg8: memref<96x112xi32, #tpu.memory_space<vmem>>, %arg9: memref<32x64xf32, #tpu.memory_space<vmem>>, %arg10: memref<672x64xf32, #tpu.memory_space<vmem>>, %arg11: memref<672xf32, #tpu.memory_space<vmem>>, %arg12: memref<16x17xf32, #tpu.memory_space<vmem>>, %arg13: memref<!tpu.dma_semaphore, #tpu.memory_space<semaphore_mem>>) attributes {dimension_semantics = [#tpu.dimension_semantics<core_parallel>, #tpu.dimension_semantics<subcore_parallel>], iteration_bounds = array<i64: 2, 16>, scalar_prefetch = 0 : i64, scratch_operands = 7 : i64, tpu.core_type = #tpu.core_type<sc_vector_subcore>, window_params = [{transform_indices = #map}, {transform_indices = #map}, {transform_indices = #map}, {transform_indices = #map}, {transform_indices = #map1}]} {
    %mul3A = arith.constant 2 : i32
    %mul3A_0 = arith.muli %arg1, %mul3A : i32
    %add3A = arith.addi %mul3A_0, %arg0 : i32
    %iota3A = tpu.iota {dimensions = array<i32: 0>} : vector<16xi32>
    %mul3A_1 = arith.constant 16 : i32
    %mul3A_2 = arith.muli %add3A, %mul3A_1 : i32
    "tpu.region"() ({
      %run_scoped3A = tpu.sem_alloc : memref<!tpu.dma_semaphore, #tpu.memory_space<semaphore_mem>>
      %dma_start3A = arith.constant 0 : i32
      %dma_start3A_11 = tpu.memref_slice %arg2[%mul3A_2, %dma_start3A] : memref<512x32xi32, #tpu.memory_space<hbm>> -> memref<16x32xi32, #tpu.memory_space<hbm>>
      %dma_start3A_12 = arith.constant 0 : i32
      %dma_start3A_13 = tpu.memref_slice %arg2[%mul3A_2, %dma_start3A_12] : memref<512x32xi32, #tpu.memory_space<hbm>> -> memref<16x32xi32, #tpu.memory_space<hbm>>
      tpu.enqueue_dma source(%dma_start3A_13 : memref<16x32xi32, #tpu.memory_space<hbm>>) target(%arg7 : memref<16x32xi32, #tpu.memory_space<vmem>>) target_semaphore(%run_scoped3A : memref<!tpu.dma_semaphore, #tpu.memory_space<semaphore_mem>>)
      %dma_wait3A = arith.constant 0 : i32
      %dma_wait3A_14 = tpu.memref_slice %arg2[%mul3A_2, %dma_wait3A] : memref<512x32xi32, #tpu.memory_space<hbm>> -> memref<16x32xi32, #tpu.memory_space<hbm>>
      %dma_wait3A_15 = arith.constant 0 : i32
      %dma_wait3A_16 = tpu.memref_slice %arg2[%mul3A_2, %dma_wait3A_15] : memref<512x32xi32, #tpu.memory_space<hbm>> -> memref<16x32xi32, #tpu.memory_space<hbm>>
      tpu.wait_dma2 semaphore(%run_scoped3A : memref<!tpu.dma_semaphore, #tpu.memory_space<semaphore_mem>>) src(%dma_wait3A_16 : memref<16x32xi32, #tpu.memory_space<hbm>>) dst(%arg7 : memref<16x32xi32, #tpu.memory_space<vmem>>)
      tpu.yield
    }) : () -> ()
    %mul3A_3 = arith.constant 16 : i32
    %mul3A_4 = arith.muli %add3A, %mul3A_3 : i32
    %mul3A_5 = arith.constant 6 : i32
    %mul3A_6 = arith.muli %mul3A_4, %mul3A_5 : i32
    "tpu.region"() ({
      %run_scoped3A = tpu.sem_alloc : memref<!tpu.dma_semaphore, #tpu.memory_space<semaphore_mem>>
      %dma_start3A = arith.constant 0 : i32
      %dma_start3A_11 = tpu.memref_slice %arg3[%mul3A_6, %dma_start3A] : memref<3072x112xi32, #tpu.memory_space<hbm>> -> memref<96x112xi32, #tpu.memory_space<hbm>>
      %dma_start3A_12 = arith.constant 0 : i32
      %dma_start3A_13 = tpu.memref_slice %arg3[%mul3A_6, %dma_start3A_12] : memref<3072x112xi32, #tpu.memory_space<hbm>> -> memref<96x112xi32, #tpu.memory_space<hbm>>
      tpu.enqueue_dma source(%dma_start3A_13 : memref<96x112xi32, #tpu.memory_space<hbm>>) target(%arg8 : memref<96x112xi32, #tpu.memory_space<vmem>>) target_semaphore(%run_scoped3A : memref<!tpu.dma_semaphore, #tpu.memory_space<semaphore_mem>>)
      %dma_wait3A = arith.constant 0 : i32
      %dma_wait3A_14 = tpu.memref_slice %arg3[%mul3A_6, %dma_wait3A] : memref<3072x112xi32, #tpu.memory_space<hbm>> -> memref<96x112xi32, #tpu.memory_space<hbm>>
      %dma_wait3A_15 = arith.constant 0 : i32
      %dma_wait3A_16 = tpu.memref_slice %arg3[%mul3A_6, %dma_wait3A_15] : memref<3072x112xi32, #tpu.memory_space<hbm>> -> memref<96x112xi32, #tpu.memory_space<hbm>>
      tpu.wait_dma2 semaphore(%run_scoped3A : memref<!tpu.dma_semaphore, #tpu.memory_space<semaphore_mem>>) src(%dma_wait3A_16 : memref<96x112xi32, #tpu.memory_space<hbm>>) dst(%arg8 : memref<96x112xi32, #tpu.memory_space<vmem>>)
      tpu.yield
    }) : () -> ()
    %scan3A = arith.constant 0 : i32
    %scan3A_7 = arith.constant 16 : i32
    %scan3A_8 = arith.addi %scan3A, %scan3A_7 : i32
    %scan3A_9 = arith.constant 1 : i32
    scf.for %scan3A_11 = %scan3A to %scan3A_8 step %scan3A_9  : i32 {
      %mul3A_12 = arith.constant 1 : i32
      %mul3A_13 = arith.muli %scan3A_11, %mul3A_12 : i32
      %add3A_14 = arith.constant 0 : i32
      %add3A_15 = arith.addi %add3A_14, %mul3A_13 : i32
      %dma_start3A = arith.constant 0 : i32
      %dma_start3A_16 = tpu.memref_slice %arg7[%add3A_15, %dma_start3A] : memref<16x32xi32, #tpu.memory_space<vmem>> -> memref<1x32xi32, #tpu.memory_space<vmem>>
      %dma_start3A_17 = tpu.memref_squeeze %dma_start3A_16 : memref<1x32xi32, #tpu.memory_space<vmem>> -> memref<32xi32, #tpu.memory_space<vmem>>
      %dma_start3A_18 = arith.constant 0 : i32
      %dma_start3A_19 = arith.constant 0 : i32
      %dma_start3A_20 = tpu.memref_slice %arg4[%dma_start3A_18, %dma_start3A_19] : memref<1000000x64xf32, #tpu.memory_space<hbm>> -> memref<1000000x64xf32, #tpu.memory_space<hbm>>
      tpu.enqueue_indirect_dma source(%dma_start3A_20 : memref<1000000x64xf32, #tpu.memory_space<hbm>>) target(%arg9 : memref<32x64xf32, #tpu.memory_space<vmem>>) offsets(%dma_start3A_17 : memref<32xi32, #tpu.memory_space<vmem>>) semaphore(%arg13 : memref<!tpu.dma_semaphore, #tpu.memory_space<semaphore_mem>>)
      %dma_wait3A = arith.constant 0 : i32
      %dma_wait3A_21 = tpu.memref_slice %arg7[%add3A_15, %dma_wait3A] : memref<16x32xi32, #tpu.memory_space<vmem>> -> memref<1x32xi32, #tpu.memory_space<vmem>>
      %dma_wait3A_22 = tpu.memref_squeeze %dma_wait3A_21 : memref<1x32xi32, #tpu.memory_space<vmem>> -> memref<32xi32, #tpu.memory_space<vmem>>
      %dma_wait3A_23 = arith.constant 0 : i32
      %dma_wait3A_24 = arith.constant 0 : i32
      %dma_wait3A_25 = tpu.memref_slice %arg4[%dma_wait3A_23, %dma_wait3A_24] : memref<1000000x64xf32, #tpu.memory_space<hbm>> -> memref<1000000x64xf32, #tpu.memory_space<hbm>>
      tpu.wait_indirect_dma semaphore(%arg13 : memref<!tpu.dma_semaphore, #tpu.memory_space<semaphore_mem>>) src(%dma_wait3A_25 : memref<1000000x64xf32, #tpu.memory_space<hbm>>) dst(%arg9 : memref<32x64xf32, #tpu.memory_space<vmem>>)
      %mul3A_26 = arith.constant 6 : i32
      %mul3A_27 = arith.muli %add3A_15, %mul3A_26 : i32
      %add3A_28 = arith.constant 0 : i32
      %add3A_29 = arith.addi %mul3A_27, %add3A_28 : i32
      %dma_start3A_30 = arith.constant 0 : i32
      %dma_start3A_31 = arith.constant 0 : i32
      %dma_start3A_32 = tpu.memref_slice %arg10[%dma_start3A_30, %dma_start3A_31] : memref<672x64xf32, #tpu.memory_space<vmem>> -> memref<112x64xf32, #tpu.memory_space<vmem>>
      %dma_start3A_33 = arith.constant 0 : i32
      %dma_start3A_34 = tpu.memref_slice %arg8[%add3A_29, %dma_start3A_33] : memref<96x112xi32, #tpu.memory_space<vmem>> -> memref<1x112xi32, #tpu.memory_space<vmem>>
      %dma_start3A_35 = tpu.memref_squeeze %dma_start3A_34 : memref<1x112xi32, #tpu.memory_space<vmem>> -> memref<112xi32, #tpu.memory_space<vmem>>
      %dma_start3A_36 = arith.constant 0 : i32
      %dma_start3A_37 = arith.constant 0 : i32
      %dma_start3A_38 = tpu.memref_slice %arg5[%dma_start3A_36, %dma_start3A_37] : memref<1000000x64xf32, #tpu.memory_space<hbm>> -> memref<1000000x64xf32, #tpu.memory_space<hbm>>
      tpu.enqueue_indirect_dma source(%dma_start3A_38 : memref<1000000x64xf32, #tpu.memory_space<hbm>>) target(%dma_start3A_32 : memref<112x64xf32, #tpu.memory_space<vmem>>) offsets(%dma_start3A_35 : memref<112xi32, #tpu.memory_space<vmem>>) semaphore(%arg13 : memref<!tpu.dma_semaphore, #tpu.memory_space<semaphore_mem>>)
      %dma_wait3A_39 = arith.constant 0 : i32
      %dma_wait3A_40 = arith.constant 0 : i32
      %dma_wait3A_41 = tpu.memref_slice %arg10[%dma_wait3A_39, %dma_wait3A_40] : memref<672x64xf32, #tpu.memory_space<vmem>> -> memref<112x64xf32, #tpu.memory_space<vmem>>
      %dma_wait3A_42 = arith.constant 0 : i32
      %dma_wait3A_43 = tpu.memref_slice %arg8[%add3A_29, %dma_wait3A_42] : memref<96x112xi32, #tpu.memory_space<vmem>> -> memref<1x112xi32, #tpu.memory_space<vmem>>
      %dma_wait3A_44 = tpu.memref_squeeze %dma_wait3A_43 : memref<1x112xi32, #tpu.memory_space<vmem>> -> memref<112xi32, #tpu.memory_space<vmem>>
      %dma_wait3A_45 = arith.constant 0 : i32
      %dma_wait3A_46 = arith.constant 0 : i32
      %dma_wait3A_47 = tpu.memref_slice %arg5[%dma_wait3A_45, %dma_wait3A_46] : memref<1000000x64xf32, #tpu.memory_space<hbm>> -> memref<1000000x64xf32, #tpu.memory_space<hbm>>
      tpu.wait_indirect_dma semaphore(%arg13 : memref<!tpu.dma_semaphore, #tpu.memory_space<semaphore_mem>>) src(%dma_wait3A_47 : memref<1000000x64xf32, #tpu.memory_space<hbm>>) dst(%dma_wait3A_41 : memref<112x64xf32, #tpu.memory_space<vmem>>)
      %mul3A_48 = arith.constant 6 : i32
      %mul3A_49 = arith.muli %add3A_15, %mul3A_48 : i32
      %add3A_50 = arith.constant 1 : i32
      %add3A_51 = arith.addi %mul3A_49, %add3A_50 : i32
      %dma_start3A_52 = arith.constant 112 : i32
      %dma_start3A_53 = arith.constant 0 : i32
      %dma_start3A_54 = tpu.memref_slice %arg10[%dma_start3A_52, %dma_start3A_53] : memref<672x64xf32, #tpu.memory_space<vmem>> -> memref<112x64xf32, #tpu.memory_space<vmem>>
      %dma_start3A_55 = arith.constant 0 : i32
      %dma_start3A_56 = tpu.memref_slice %arg8[%add3A_51, %dma_start3A_55] : memref<96x112xi32, #tpu.memory_space<vmem>> -> memref<1x112xi32, #tpu.memory_space<vmem>>
      %dma_start3A_57 = tpu.memref_squeeze %dma_start3A_56 : memref<1x112xi32, #tpu.memory_space<vmem>> -> memref<112xi32, #tpu.memory_space<vmem>>
      %dma_start3A_58 = arith.constant 0 : i32
      %dma_start3A_59 = arith.constant 0 : i32
      %dma_start3A_60 = tpu.memref_slice %arg5[%dma_start3A_58, %dma_start3A_59] : memref<1000000x64xf32, #tpu.memory_space<hbm>> -> memref<1000000x64xf32, #tpu.memory_space<hbm>>
      tpu.enqueue_indirect_dma source(%dma_start3A_60 : memref<1000000x64xf32, #tpu.memory_space<hbm>>) target(%dma_start3A_54 : memref<112x64xf32, #tpu.memory_space<vmem>>) offsets(%dma_start3A_57 : memref<112xi32, #tpu.memory_space<vmem>>) semaphore(%arg13 : memref<!tpu.dma_semaphore, #tpu.memory_space<semaphore_mem>>)
      %dma_wait3A_61 = arith.constant 112 : i32
      %dma_wait3A_62 = arith.constant 0 : i32
      %dma_wait3A_63 = tpu.memref_slice %arg10[%dma_wait3A_61, %dma_wait3A_62] : memref<672x64xf32, #tpu.memory_space<vmem>> -> memref<112x64xf32, #tpu.memory_space<vmem>>
      %dma_wait3A_64 = arith.constant 0 : i32
      %dma_wait3A_65 = tpu.memref_slice %arg8[%add3A_51, %dma_wait3A_64] : memref<96x112xi32, #tpu.memory_space<vmem>> -> memref<1x112xi32, #tpu.memory_space<vmem>>
      %dma_wait3A_66 = tpu.memref_squeeze %dma_wait3A_65 : memref<1x112xi32, #tpu.memory_space<vmem>> -> memref<112xi32, #tpu.memory_space<vmem>>
      %dma_wait3A_67 = arith.constant 0 : i32
      %dma_wait3A_68 = arith.constant 0 : i32
      %dma_wait3A_69 = tpu.memref_slice %arg5[%dma_wait3A_67, %dma_wait3A_68] : memref<1000000x64xf32, #tpu.memory_space<hbm>> -> memref<1000000x64xf32, #tpu.memory_space<hbm>>
      tpu.wait_indirect_dma semaphore(%arg13 : memref<!tpu.dma_semaphore, #tpu.memory_space<semaphore_mem>>) src(%dma_wait3A_69 : memref<1000000x64xf32, #tpu.memory_space<hbm>>) dst(%dma_wait3A_63 : memref<112x64xf32, #tpu.memory_space<vmem>>)
      %mul3A_70 = arith.constant 6 : i32
      %mul3A_71 = arith.muli %add3A_15, %mul3A_70 : i32
      %add3A_72 = arith.constant 2 : i32
      %add3A_73 = arith.addi %mul3A_71, %add3A_72 : i32
      %dma_start3A_74 = arith.constant 224 : i32
      %dma_start3A_75 = arith.constant 0 : i32
      %dma_start3A_76 = tpu.memref_slice %arg10[%dma_start3A_74, %dma_start3A_75] : memref<672x64xf32, #tpu.memory_space<vmem>> -> memref<112x64xf32, #tpu.memory_space<vmem>>
      %dma_start3A_77 = arith.constant 0 : i32
      %dma_start3A_78 = tpu.memref_slice %arg8[%add3A_73, %dma_start3A_77] : memref<96x112xi32, #tpu.memory_space<vmem>> -> memref<1x112xi32, #tpu.memory_space<vmem>>
      %dma_start3A_79 = tpu.memref_squeeze %dma_start3A_78 : memref<1x112xi32, #tpu.memory_space<vmem>> -> memref<112xi32, #tpu.memory_space<vmem>>
      %dma_start3A_80 = arith.constant 0 : i32
      %dma_start3A_81 = arith.constant 0 : i32
      %dma_start3A_82 = tpu.memref_slice %arg5[%dma_start3A_80, %dma_start3A_81] : memref<1000000x64xf32, #tpu.memory_space<hbm>> -> memref<1000000x64xf32, #tpu.memory_space<hbm>>
      tpu.enqueue_indirect_dma source(%dma_start3A_82 : memref<1000000x64xf32, #tpu.memory_space<hbm>>) target(%dma_start3A_76 : memref<112x64xf32, #tpu.memory_space<vmem>>) offsets(%dma_start3A_79 : memref<112xi32, #tpu.memory_space<vmem>>) semaphore(%arg13 : memref<!tpu.dma_semaphore, #tpu.memory_space<semaphore_mem>>)
      %dma_wait3A_83 = arith.constant 224 : i32
      %dma_wait3A_84 = arith.constant 0 : i32
      %dma_wait3A_85 = tpu.memref_slice %arg10[%dma_wait3A_83, %dma_wait3A_84] : memref<672x64xf32, #tpu.memory_space<vmem>> -> memref<112x64xf32, #tpu.memory_space<vmem>>
      %dma_wait3A_86 = arith.constant 0 : i32
      %dma_wait3A_87 = tpu.memref_slice %arg8[%add3A_73, %dma_wait3A_86] : memref<96x112xi32, #tpu.memory_space<vmem>> -> memref<1x112xi32, #tpu.memory_space<vmem>>
      %dma_wait3A_88 = tpu.memref_squeeze %dma_wait3A_87 : memref<1x112xi32, #tpu.memory_space<vmem>> -> memref<112xi32, #tpu.memory_space<vmem>>
      %dma_wait3A_89 = arith.constant 0 : i32
      %dma_wait3A_90 = arith.constant 0 : i32
      %dma_wait3A_91 = tpu.memref_slice %arg5[%dma_wait3A_89, %dma_wait3A_90] : memref<1000000x64xf32, #tpu.memory_space<hbm>> -> memref<1000000x64xf32, #tpu.memory_space<hbm>>
      tpu.wait_indirect_dma semaphore(%arg13 : memref<!tpu.dma_semaphore, #tpu.memory_space<semaphore_mem>>) src(%dma_wait3A_91 : memref<1000000x64xf32, #tpu.memory_space<hbm>>) dst(%dma_wait3A_85 : memref<112x64xf32, #tpu.memory_space<vmem>>)
      %mul3A_92 = arith.constant 6 : i32
      %mul3A_93 = arith.muli %add3A_15, %mul3A_92 : i32
      %add3A_94 = arith.constant 3 : i32
      %add3A_95 = arith.addi %mul3A_93, %add3A_94 : i32
      %dma_start3A_96 = arith.constant 336 : i32
      %dma_start3A_97 = arith.constant 0 : i32
      %dma_start3A_98 = tpu.memref_slice %arg10[%dma_start3A_96, %dma_start3A_97] : memref<672x64xf32, #tpu.memory_space<vmem>> -> memref<112x64xf32, #tpu.memory_space<vmem>>
      %dma_start3A_99 = arith.constant 0 : i32
      %dma_start3A_100 = tpu.memref_slice %arg8[%add3A_95, %dma_start3A_99] : memref<96x112xi32, #tpu.memory_space<vmem>> -> memref<1x112xi32, #tpu.memory_space<vmem>>
      %dma_start3A_101 = tpu.memref_squeeze %dma_start3A_100 : memref<1x112xi32, #tpu.memory_space<vmem>> -> memref<112xi32, #tpu.memory_space<vmem>>
      %dma_start3A_102 = arith.constant 0 : i32
      %dma_start3A_103 = arith.constant 0 : i32
      %dma_start3A_104 = tpu.memref_slice %arg5[%dma_start3A_102, %dma_start3A_103] : memref<1000000x64xf32, #tpu.memory_space<hbm>> -> memref<1000000x64xf32, #tpu.memory_space<hbm>>
      tpu.enqueue_indirect_dma source(%dma_start3A_104 : memref<1000000x64xf32, #tpu.memory_space<hbm>>) target(%dma_start3A_98 : memref<112x64xf32, #tpu.memory_space<vmem>>) offsets(%dma_start3A_101 : memref<112xi32, #tpu.memory_space<vmem>>) semaphore(%arg13 : memref<!tpu.dma_semaphore, #tpu.memory_space<semaphore_mem>>)
      %dma_wait3A_105 = arith.constant 336 : i32
      %dma_wait3A_106 = arith.constant 0 : i32
      %dma_wait3A_107 = tpu.memref_slice %arg10[%dma_wait3A_105, %dma_wait3A_106] : memref<672x64xf32, #tpu.memory_space<vmem>> -> memref<112x64xf32, #tpu.memory_space<vmem>>
      %dma_wait3A_108 = arith.constant 0 : i32
      %dma_wait3A_109 = tpu.memref_slice %arg8[%add3A_95, %dma_wait3A_108] : memref<96x112xi32, #tpu.memory_space<vmem>> -> memref<1x112xi32, #tpu.memory_space<vmem>>
      %dma_wait3A_110 = tpu.memref_squeeze %dma_wait3A_109 : memref<1x112xi32, #tpu.memory_space<vmem>> -> memref<112xi32, #tpu.memory_space<vmem>>
      %dma_wait3A_111 = arith.constant 0 : i32
      %dma_wait3A_112 = arith.constant 0 : i32
      %dma_wait3A_113 = tpu.memref_slice %arg5[%dma_wait3A_111, %dma_wait3A_112] : memref<1000000x64xf32, #tpu.memory_space<hbm>> -> memref<1000000x64xf32, #tpu.memory_space<hbm>>
      tpu.wait_indirect_dma semaphore(%arg13 : memref<!tpu.dma_semaphore, #tpu.memory_space<semaphore_mem>>) src(%dma_wait3A_113 : memref<1000000x64xf32, #tpu.memory_space<hbm>>) dst(%dma_wait3A_107 : memref<112x64xf32, #tpu.memory_space<vmem>>)
      %mul3A_114 = arith.constant 6 : i32
      %mul3A_115 = arith.muli %add3A_15, %mul3A_114 : i32
      %add3A_116 = arith.constant 4 : i32
      %add3A_117 = arith.addi %mul3A_115, %add3A_116 : i32
      %dma_start3A_118 = arith.constant 448 : i32
      %dma_start3A_119 = arith.constant 0 : i32
      %dma_start3A_120 = tpu.memref_slice %arg10[%dma_start3A_118, %dma_start3A_119] : memref<672x64xf32, #tpu.memory_space<vmem>> -> memref<112x64xf32, #tpu.memory_space<vmem>>
      %dma_start3A_121 = arith.constant 0 : i32
      %dma_start3A_122 = tpu.memref_slice %arg8[%add3A_117, %dma_start3A_121] : memref<96x112xi32, #tpu.memory_space<vmem>> -> memref<1x112xi32, #tpu.memory_space<vmem>>
      %dma_start3A_123 = tpu.memref_squeeze %dma_start3A_122 : memref<1x112xi32, #tpu.memory_space<vmem>> -> memref<112xi32, #tpu.memory_space<vmem>>
      %dma_start3A_124 = arith.constant 0 : i32
      %dma_start3A_125 = arith.constant 0 : i32
      %dma_start3A_126 = tpu.memref_slice %arg5[%dma_start3A_124, %dma_start3A_125] : memref<1000000x64xf32, #tpu.memory_space<hbm>> -> memref<1000000x64xf32, #tpu.memory_space<hbm>>
      tpu.enqueue_indirect_dma source(%dma_start3A_126 : memref<1000000x64xf32, #tpu.memory_space<hbm>>) target(%dma_start3A_120 : memref<112x64xf32, #tpu.memory_space<vmem>>) offsets(%dma_start3A_123 : memref<112xi32, #tpu.memory_space<vmem>>) semaphore(%arg13 : memref<!tpu.dma_semaphore, #tpu.memory_space<semaphore_mem>>)
      %dma_wait3A_127 = arith.constant 448 : i32
      %dma_wait3A_128 = arith.constant 0 : i32
      %dma_wait3A_129 = tpu.memref_slice %arg10[%dma_wait3A_127, %dma_wait3A_128] : memref<672x64xf32, #tpu.memory_space<vmem>> -> memref<112x64xf32, #tpu.memory_space<vmem>>
      %dma_wait3A_130 = arith.constant 0 : i32
      %dma_wait3A_131 = tpu.memref_slice %arg8[%add3A_117, %dma_wait3A_130] : memref<96x112xi32, #tpu.memory_space<vmem>> -> memref<1x112xi32, #tpu.memory_space<vmem>>
      %dma_wait3A_132 = tpu.memref_squeeze %dma_wait3A_131 : memref<1x112xi32, #tpu.memory_space<vmem>> -> memref<112xi32, #tpu.memory_space<vmem>>
      %dma_wait3A_133 = arith.constant 0 : i32
      %dma_wait3A_134 = arith.constant 0 : i32
      %dma_wait3A_135 = tpu.memref_slice %arg5[%dma_wait3A_133, %dma_wait3A_134] : memref<1000000x64xf32, #tpu.memory_space<hbm>> -> memref<1000000x64xf32, #tpu.memory_space<hbm>>
      tpu.wait_indirect_dma semaphore(%arg13 : memref<!tpu.dma_semaphore, #tpu.memory_space<semaphore_mem>>) src(%dma_wait3A_135 : memref<1000000x64xf32, #tpu.memory_space<hbm>>) dst(%dma_wait3A_129 : memref<112x64xf32, #tpu.memory_space<vmem>>)
      %mul3A_136 = arith.constant 6 : i32
      %mul3A_137 = arith.muli %add3A_15, %mul3A_136 : i32
      %add3A_138 = arith.constant 5 : i32
      %add3A_139 = arith.addi %mul3A_137, %add3A_138 : i32
      %dma_start3A_140 = arith.constant 560 : i32
      %dma_start3A_141 = arith.constant 0 : i32
      %dma_start3A_142 = tpu.memref_slice %arg10[%dma_start3A_140, %dma_start3A_141] : memref<672x64xf32, #tpu.memory_space<vmem>> -> memref<112x64xf32, #tpu.memory_space<vmem>>
      %dma_start3A_143 = arith.constant 0 : i32
      %dma_start3A_144 = tpu.memref_slice %arg8[%add3A_139, %dma_start3A_143] : memref<96x112xi32, #tpu.memory_space<vmem>> -> memref<1x112xi32, #tpu.memory_space<vmem>>
      %dma_start3A_145 = tpu.memref_squeeze %dma_start3A_144 : memref<1x112xi32, #tpu.memory_space<vmem>> -> memref<112xi32, #tpu.memory_space<vmem>>
      %dma_start3A_146 = arith.constant 0 : i32
      %dma_start3A_147 = arith.constant 0 : i32
      %dma_start3A_148 = tpu.memref_slice %arg5[%dma_start3A_146, %dma_start3A_147] : memref<1000000x64xf32, #tpu.memory_space<hbm>> -> memref<1000000x64xf32, #tpu.memory_space<hbm>>
      tpu.enqueue_indirect_dma source(%dma_start3A_148 : memref<1000000x64xf32, #tpu.memory_space<hbm>>) target(%dma_start3A_142 : memref<112x64xf32, #tpu.memory_space<vmem>>) offsets(%dma_start3A_145 : memref<112xi32, #tpu.memory_space<vmem>>) semaphore(%arg13 : memref<!tpu.dma_semaphore, #tpu.memory_space<semaphore_mem>>)
      %dma_wait3A_149 = arith.constant 560 : i32
      %dma_wait3A_150 = arith.constant 0 : i32
      %dma_wait3A_151 = tpu.memref_slice %arg10[%dma_wait3A_149, %dma_wait3A_150] : memref<672x64xf32, #tpu.memory_space<vmem>> -> memref<112x64xf32, #tpu.memory_space<vmem>>
      %dma_wait3A_152 = arith.constant 0 : i32
      %dma_wait3A_153 = tpu.memref_slice %arg8[%add3A_139, %dma_wait3A_152] : memref<96x112xi32, #tpu.memory_space<vmem>> -> memref<1x112xi32, #tpu.memory_space<vmem>>
      %dma_wait3A_154 = tpu.memref_squeeze %dma_wait3A_153 : memref<1x112xi32, #tpu.memory_space<vmem>> -> memref<112xi32, #tpu.memory_space<vmem>>
      %dma_wait3A_155 = arith.constant 0 : i32
      %dma_wait3A_156 = arith.constant 0 : i32
      %dma_wait3A_157 = tpu.memref_slice %arg5[%dma_wait3A_155, %dma_wait3A_156] : memref<1000000x64xf32, #tpu.memory_space<hbm>> -> memref<1000000x64xf32, #tpu.memory_space<hbm>>
      tpu.wait_indirect_dma semaphore(%arg13 : memref<!tpu.dma_semaphore, #tpu.memory_space<semaphore_mem>>) src(%dma_wait3A_157 : memref<1000000x64xf32, #tpu.memory_space<hbm>>) dst(%dma_wait3A_151 : memref<112x64xf32, #tpu.memory_space<vmem>>)
      %scan3A_158 = arith.constant 0 : i32
      %scan3A_159 = arith.constant 32 : i32
      %scan3A_160 = arith.addi %scan3A_158, %scan3A_159 : i32
      %scan3A_161 = arith.constant 1 : i32
      scf.for %scan3A_170 = %scan3A_158 to %scan3A_160 step %scan3A_161  : i32 {
        %mul3A_171 = arith.constant 1 : i32
        %mul3A_172 = arith.muli %scan3A_170, %mul3A_171 : i32
        %add3A_173 = arith.constant 0 : i32
        %add3A_174 = arith.addi %add3A_173, %mul3A_172 : i32
        %get3A = arith.index_cast %add3A_174 : i32 to index
        %get3A_175 = arith.constant 0 : index
        %get3A_176 = tpu.vector_load %arg9[%get3A, %get3A_175] {strides = array<i32>} : memref<32x64xf32, #tpu.memory_space<vmem>>, vector<16xf32>,
        %get3A_177 = arith.index_cast %add3A_174 : i32 to index
        %get3A_178 = arith.constant 16 : index
        %get3A_179 = tpu.vector_load %arg9[%get3A_177, %get3A_178] {strides = array<i32>} : memref<32x64xf32, #tpu.memory_space<vmem>>, vector<16xf32>,
        %get3A_180 = arith.index_cast %add3A_174 : i32 to index
        %get3A_181 = arith.constant 32 : index
        %get3A_182 = tpu.vector_load %arg9[%get3A_180, %get3A_181] {strides = array<i32>} : memref<32x64xf32, #tpu.memory_space<vmem>>, vector<16xf32>,
        %get3A_183 = arith.index_cast %add3A_174 : i32 to index
        %get3A_184 = arith.constant 48 : index
        %get3A_185 = tpu.vector_load %arg9[%get3A_183, %get3A_184] {strides = array<i32>} : memref<32x64xf32, #tpu.memory_space<vmem>>, vector<16xf32>,
        %mul3A_186 = arith.constant 21 : i32
        %mul3A_187 = arith.muli %add3A_174, %mul3A_186 : i32
        %add3A_188 = arith.constant 0 : i32
        %add3A_189 = arith.addi %mul3A_187, %add3A_188 : i32
        %add3A_190 = arith.constant 0 : i32
        %add3A_191 = arith.addi %add3A_189, %add3A_190 : i32
        %get3A_192 = arith.index_cast %add3A_191 : i32 to index
        %get3A_193 = arith.constant 0 : index
        %get3A_194 = tpu.vector_load %arg10[%get3A_192, %get3A_193] {strides = array<i32>} : memref<672x64xf32, #tpu.memory_space<vmem>>, vector<16xf32>,
        %mul3A_195 = arith.mulf %get3A_194, %get3A_176 : vector<16xf32>
        %get3A_196 = arith.index_cast %add3A_191 : i32 to index
        %get3A_197 = arith.constant 16 : index
        %get3A_198 = tpu.vector_load %arg10[%get3A_196, %get3A_197] {strides = array<i32>} : memref<672x64xf32, #tpu.memory_space<vmem>>, vector<16xf32>,
        %mul3A_199 = arith.mulf %get3A_198, %get3A_179 : vector<16xf32>
        %add3A_200 = arith.addf %mul3A_195, %mul3A_199 : vector<16xf32>
        %get3A_201 = arith.index_cast %add3A_191 : i32 to index
        %get3A_202 = arith.constant 32 : index
        %get3A_203 = tpu.vector_load %arg10[%get3A_201, %get3A_202] {strides = array<i32>} : memref<672x64xf32, #tpu.memory_space<vmem>>, vector<16xf32>,
        %mul3A_204 = arith.mulf %get3A_203, %get3A_182 : vector<16xf32>
        %add3A_205 = arith.addf %add3A_200, %mul3A_204 : vector<16xf32>
        %get3A_206 = arith.index_cast %add3A_191 : i32 to index
        %get3A_207 = arith.constant 48 : index
        %get3A_208 = tpu.vector_load %arg10[%get3A_206, %get3A_207] {strides = array<i32>} : memref<672x64xf32, #tpu.memory_space<vmem>>, vector<16xf32>,
        %mul3A_209 = arith.mulf %get3A_208, %get3A_185 : vector<16xf32>
        %add3A_210 = arith.addf %add3A_205, %mul3A_209 : vector<16xf32>
        %swap3A = arith.constant 0 : i32
        %swap3A_211 = arith.index_cast %swap3A : i32 to index
        %swap3A_212 = arith.constant 0 : index
        %swap3A_213 = tpu.vector_load %arg12[%swap3A_211, %swap3A_212] {strides = array<i32>} : memref<16x17xf32, #tpu.memory_space<vmem>>, vector<16xf32>,
        tpu.vector_store %arg12[%swap3A_211, %swap3A_212], %add3A_210 {strides = array<i32>} : memref<16x17xf32, #tpu.memory_space<vmem>>, vector<16xf32>,
        %add3A_214 = arith.constant 0 : i32
        %add3A_215 = arith.addi %mul3A_187, %add3A_214 : i32
        %add3A_216 = arith.constant 1 : i32
        %add3A_217 = arith.addi %add3A_215, %add3A_216 : i32
        %get3A_218 = arith.index_cast %add3A_217 : i32 to index
        %get3A_219 = arith.constant 0 : index
        %get3A_220 = tpu.vector_load %arg10[%get3A_218, %get3A_219] {strides = array<i32>} : memref<672x64xf32, #tpu.memory_space<vmem>>, vector<16xf32>,
        %mul3A_221 = arith.mulf %get3A_220, %get3A_176 : vector<16xf32>
        %get3A_222 = arith.index_cast %add3A_217 : i32 to index
        %get3A_223 = arith.constant 16 : index
        %get3A_224 = tpu.vector_load %arg10[%get3A_222, %get3A_223] {strides = array<i32>} : memref<672x64xf32, #tpu.memory_space<vmem>>, vector<16xf32>,
        %mul3A_225 = arith.mulf %get3A_224, %get3A_179 : vector<16xf32>
        %add3A_226 = arith.addf %mul3A_221, %mul3A_225 : vector<16xf32>
        %get3A_227 = arith.index_cast %add3A_217 : i32 to index
        %get3A_228 = arith.constant 32 : index
        %get3A_229 = tpu.vector_load %arg10[%get3A_227, %get3A_228] {strides = array<i32>} : memref<672x64xf32, #tpu.memory_space<vmem>>, vector<16xf32>,
        %mul3A_230 = arith.mulf %get3A_229, %get3A_182 : vector<16xf32>
        %add3A_231 = arith.addf %add3A_226, %mul3A_230 : vector<16xf32>
        %get3A_232 = arith.index_cast %add3A_217 : i32 to index
        %get3A_233 = arith.constant 48 : index
        %get3A_234 = tpu.vector_load %arg10[%get3A_232, %get3A_233] {strides = array<i32>} : memref<672x64xf32, #tpu.memory_space<vmem>>, vector<16xf32>,
        %mul3A_235 = arith.mulf %get3A_234, %get3A_185 : vector<16xf32>
        %add3A_236 = arith.addf %add3A_231, %mul3A_235 : vector<16xf32>
        %swap3A_237 = arith.constant 1 : i32
        %swap3A_238 = arith.index_cast %swap3A_237 : i32 to index
        %swap3A_239 = arith.constant 0 : index
        %swap3A_240 = tpu.vector_load %arg12[%swap3A_238, %swap3A_239] {strides = array<i32>} : memref<16x17xf32, #tpu.memory_space<vmem>>, vector<16xf32>,
        tpu.vector_store %arg12[%swap3A_238, %swap3A_239], %add3A_236 {strides = array<i32>} : memref<16x17xf32, #tpu.memory_space<vmem>>, vector<16xf32>,
        %add3A_241 = arith.constant 0 : i32
        %add3A_242 = arith.addi %mul3A_187, %add3A_241 : i32
        %add3A_243 = arith.constant 2 : i32
        %add3A_244 = arith.addi %add3A_242, %add3A_243 : i32
        %get3A_245 = arith.index_cast %add3A_244 : i32 to index
        %get3A_246 = arith.constant 0 : index
        %get3A_247 = tpu.vector_load %arg10[%get3A_245, %get3A_246] {strides = array<i32>} : memref<672x64xf32, #tpu.memory_space<vmem>>, vector<16xf32>,
        %mul3A_248 = arith.mulf %get3A_247, %get3A_176 : vector<16xf32>
        %get3A_249 = arith.index_cast %add3A_244 : i32 to index
        %get3A_250 = arith.constant 16 : index
        %get3A_251 = tpu.vector_load %arg10[%get3A_249, %get3A_250] {strides = array<i32>} : memref<672x64xf32, #tpu.memory_space<vmem>>, vector<16xf32>,
        %mul3A_252 = arith.mulf %get3A_251, %get3A_179 : vector<16xf32>
        %add3A_253 = arith.addf %mul3A_248, %mul3A_252 : vector<16xf32>
        %get3A_254 = arith.index_cast %add3A_244 : i32 to index
        %get3A_255 = arith.constant 32 : index
        %get3A_256 = tpu.vector_load %arg10[%get3A_254, %get3A_255] {strides = array<i32>} : memref<672x64xf32, #tpu.memory_space<vmem>>, vector<16xf32>,
        %mul3A_257 = arith.mulf %get3A_256, %get3A_182 : vector<16xf32>
        %add3A_258 = arith.addf %add3A_253, %mul3A_257 : vector<16xf32>
        %get3A_259 = arith.index_cast %add3A_244 : i32 to index
        %get3A_260 = arith.constant 48 : index
        %get3A_261 = tpu.vector_load %arg10[%get3A_259, %get3A_260] {strides = array<i32>} : memref<672x64xf32, #tpu.memory_space<vmem>>, vector<16xf32>,
        %mul3A_262 = arith.mulf %get3A_261, %get3A_185 : vector<16xf32>
        %add3A_263 = arith.addf %add3A_258, %mul3A_262 : vector<16xf32>
        %swap3A_264 = arith.constant 2 : i32
        %swap3A_265 = arith.index_cast %swap3A_264 : i32 to index
        %swap3A_266 = arith.constant 0 : index
        %swap3A_267 = tpu.vector_load %arg12[%swap3A_265, %swap3A_266] {strides = array<i32>} : memref<16x17xf32, #tpu.memory_space<vmem>>, vector<16xf32>,
        tpu.vector_store %arg12[%swap3A_265, %swap3A_266], %add3A_263 {strides = array<i32>} : memref<16x17xf32, #tpu.memory_space<vmem>>, vector<16xf32>,
        %add3A_268 = arith.constant 0 : i32
        %add3A_269 = arith.addi %mul3A_187, %add3A_268 : i32
        %add3A_270 = arith.constant 3 : i32
        %add3A_271 = arith.addi %add3A_269, %add3A_270 : i32
        %get3A_272 = arith.index_cast %add3A_271 : i32 to index
        %get3A_273 = arith.constant 0 : index
        %get3A_274 = tpu.vector_load %arg10[%get3A_272, %get3A_273] {strides = array<i32>} : memref<672x64xf32, #tpu.memory_space<vmem>>, vector<16xf32>,
        %mul3A_275 = arith.mulf %get3A_274, %get3A_176 : vector<16xf32>
        %get3A_276 = arith.index_cast %add3A_271 : i32 to index
        %get3A_277 = arith.constant 16 : index
        %get3A_278 = tpu.vector_load %arg10[%get3A_276, %get3A_277] {strides = array<i32>} : memref<672x64xf32, #tpu.memory_space<vmem>>, vector<16xf32>,
        %mul3A_279 = arith.mulf %get3A_278, %get3A_179 : vector<16xf32>
        %add3A_280 = arith.addf %mul3A_275, %mul3A_279 : vector<16xf32>
        %get3A_281 = arith.index_cast %add3A_271 : i32 to index
        %get3A_282 = arith.constant 32 : index
        %get3A_283 = tpu.vector_load %arg10[%get3A_281, %get3A_282] {strides = array<i32>} : memref<672x64xf32, #tpu.memory_space<vmem>>, vector<16xf32>,
        %mul3A_284 = arith.mulf %get3A_283, %get3A_182 : vector<16xf32>
        %add3A_285 = arith.addf %add3A_280, %mul3A_284 : vector<16xf32>
        %get3A_286 = arith.index_cast %add3A_271 : i32 to index
        %get3A_287 = arith.constant 48 : index
        %get3A_288 = tpu.vector_load %arg10[%get3A_286, %get3A_287] {strides = array<i32>} : memref<672x64xf32, #tpu.memory_space<vmem>>, vector<16xf32>,
        %mul3A_289 = arith.mulf %get3A_288, %get3A_185 : vector<16xf32>
        %add3A_290 = arith.addf %add3A_285, %mul3A_289 : vector<16xf32>
        %swap3A_291 = arith.constant 3 : i32
        %swap3A_292 = arith.index_cast %swap3A_291 : i32 to index
        %swap3A_293 = arith.constant 0 : index
        %swap3A_294 = tpu.vector_load %arg12[%swap3A_292, %swap3A_293] {strides = array<i32>} : memref<16x17xf32, #tpu.memory_space<vmem>>, vector<16xf32>,
        tpu.vector_store %arg12[%swap3A_292, %swap3A_293], %add3A_290 {strides = array<i32>} : memref<16x17xf32, #tpu.memory_space<vmem>>, vector<16xf32>,
        %add3A_295 = arith.constant 0 : i32
        %add3A_296 = arith.addi %mul3A_187, %add3A_295 : i32
        %add3A_297 = arith.constant 4 : i32
        %add3A_298 = arith.addi %add3A_296, %add3A_297 : i32
        %get3A_299 = arith.index_cast %add3A_298 : i32 to index
        %get3A_300 = arith.constant 0 : index
        %get3A_301 = tpu.vector_load %arg10[%get3A_299, %get3A_300] {strides = array<i32>} : memref<672x64xf32, #tpu.memory_space<vmem>>, vector<16xf32>,
        %mul3A_302 = arith.mulf %get3A_301, %get3A_176 : vector<16xf32>
        %get3A_303 = arith.index_cast %add3A_298 : i32 to index
        %get3A_304 = arith.constant 16 : index
        %get3A_305 = tpu.vector_load %arg10[%get3A_303, %get3A_304] {strides = array<i32>} : memref<672x64xf32, #tpu.memory_space<vmem>>, vector<16xf32>,
        %mul3A_306 = arith.mulf %get3A_305, %get3A_179 : vector<16xf32>
        %add3A_307 = arith.addf %mul3A_302, %mul3A_306 : vector<16xf32>
        %get3A_308 = arith.index_cast %add3A_298 : i32 to index
        %get3A_309 = arith.constant 32 : index
        %get3A_310 = tpu.vector_load %arg10[%get3A_308, %get3A_309] {strides = array<i32>} : memref<672x64xf32, #tpu.memory_space<vmem>>, vector<16xf32>,
        %mul3A_311 = arith.mulf %get3A_310, %get3A_182 : vector<16xf32>
        %add3A_312 = arith.addf %add3A_307, %mul3A_311 : vector<16xf32>
        %get3A_313 = arith.index_cast %add3A_298 : i32 to index
        %get3A_314 = arith.constant 48 : index
        %get3A_315 = tpu.vector_load %arg10[%get3A_313, %get3A_314] {strides = array<i32>} : memref<672x64xf32, #tpu.memory_space<vmem>>, vector<16xf32>,
        %mul3A_316 = arith.mulf %get3A_315, %get3A_185 : vector<16xf32>
        %add3A_317 = arith.addf %add3A_312, %mul3A_316 : vector<16xf32>
        %swap3A_318 = arith.constant 4 : i32
        %swap3A_319 = arith.index_cast %swap3A_318 : i32 to index
        %swap3A_320 = arith.constant 0 : index
        %swap3A_321 = tpu.vector_load %arg12[%swap3A_319, %swap3A_320] {strides = array<i32>} : memref<16x17xf32, #tpu.memory_space<vmem>>, vector<16xf32>,
        tpu.vector_store %arg12[%swap3A_319, %swap3A_320], %add3A_317 {strides = array<i32>} : memref<16x17xf32, #tpu.memory_space<vmem>>, vector<16xf32>,
        %add3A_322 = arith.constant 0 : i32
        %add3A_323 = arith.addi %mul3A_187, %add3A_322 : i32
        %add3A_324 = arith.constant 5 : i32
        %add3A_325 = arith.addi %add3A_323, %add3A_324 : i32
        %get3A_326 = arith.index_cast %add3A_325 : i32 to index
        %get3A_327 = arith.constant 0 : index
        %get3A_328 = tpu.vector_load %arg10[%get3A_326, %get3A_327] {strides = array<i32>} : memref<672x64xf32, #tpu.memory_space<vmem>>, vector<16xf32>,
        %mul3A_329 = arith.mulf %get3A_328, %get3A_176 : vector<16xf32>
        %get3A_330 = arith.index_cast %add3A_325 : i32 to index
        %get3A_331 = arith.constant 16 : index
        %get3A_332 = tpu.vector_load %arg10[%get3A_330, %get3A_331] {strides = array<i32>} : memref<672x64xf32, #tpu.memory_space<vmem>>, vector<16xf32>,
        %mul3A_333 = arith.mulf %get3A_332, %get3A_179 : vector<16xf32>
        %add3A_334 = arith.addf %mul3A_329, %mul3A_333 : vector<16xf32>
        %get3A_335 = arith.index_cast %add3A_325 : i32 to index
        %get3A_336 = arith.constant 32 : index
        %get3A_337 = tpu.vector_load %arg10[%get3A_335, %get3A_336] {strides = array<i32>} : memref<672x64xf32, #tpu.memory_space<vmem>>, vector<16xf32>,
        %mul3A_338 = arith.mulf %get3A_337, %get3A_182 : vector<16xf32>
        %add3A_339 = arith.addf %add3A_334, %mul3A_338 : vector<16xf32>
        %get3A_340 = arith.index_cast %add3A_325 : i32 to index
        %get3A_341 = arith.constant 48 : index
        %get3A_342 = tpu.vector_load %arg10[%get3A_340, %get3A_341] {strides = array<i32>} : memref<672x64xf32, #tpu.memory_space<vmem>>, vector<16xf32>,
        %mul3A_343 = arith.mulf %get3A_342, %get3A_185 : vector<16xf32>
        %add3A_344 = arith.addf %add3A_339, %mul3A_343 : vector<16xf32>
        %swap3A_345 = arith.constant 5 : i32
        %swap3A_346 = arith.index_cast %swap3A_345 : i32 to index
        %swap3A_347 = arith.constant 0 : index
        %swap3A_348 = tpu.vector_load %arg12[%swap3A_346, %swap3A_347] {strides = array<i32>} : memref<16x17xf32, #tpu.memory_space<vmem>>, vector<16xf32>,
        tpu.vector_store %arg12[%swap3A_346, %swap3A_347], %add3A_344 {strides = array<i32>} : memref<16x17xf32, #tpu.memory_space<vmem>>, vector<16xf32>,
        %add3A_349 = arith.constant 0 : i32
        %add3A_350 = arith.addi %mul3A_187, %add3A_349 : i32
        %add3A_351 = arith.constant 6 : i32
        %add3A_352 = arith.addi %add3A_350, %add3A_351 : i32
        %get3A_353 = arith.index_cast %add3A_352 : i32 to index
        %get3A_354 = arith.constant 0 : index
        %get3A_355 = tpu.vector_load %arg10[%get3A_353, %get3A_354] {strides = array<i32>} : memref<672x64xf32, #tpu.memory_space<vmem>>, vector<16xf32>,
        %mul3A_356 = arith.mulf %get3A_355, %get3A_176 : vector<16xf32>
        %get3A_357 = arith.index_cast %add3A_352 : i32 to index
        %get3A_358 = arith.constant 16 : index
        %get3A_359 = tpu.vector_load %arg10[%get3A_357, %get3A_358] {strides = array<i32>} : memref<672x64xf32, #tpu.memory_space<vmem>>, vector<16xf32>,
        %mul3A_360 = arith.mulf %get3A_359, %get3A_179 : vector<16xf32>
        %add3A_361 = arith.addf %mul3A_356, %mul3A_360 : vector<16xf32>
        %get3A_362 = arith.index_cast %add3A_352 : i32 to index
        %get3A_363 = arith.constant 32 : index
        %get3A_364 = tpu.vector_load %arg10[%get3A_362, %get3A_363] {strides = array<i32>} : memref<672x64xf32, #tpu.memory_space<vmem>>, vector<16xf32>,
        %mul3A_365 = arith.mulf %get3A_364, %get3A_182 : vector<16xf32>
        %add3A_366 = arith.addf %add3A_361, %mul3A_365 : vector<16xf32>
        %get3A_367 = arith.index_cast %add3A_352 : i32 to index
        %get3A_368 = arith.constant 48 : index
        %get3A_369 = tpu.vector_load %arg10[%get3A_367, %get3A_368] {strides = array<i32>} : memref<672x64xf32, #tpu.memory_space<vmem>>, vector<16xf32>,
        %mul3A_370 = arith.mulf %get3A_369, %get3A_185 : vector<16xf32>
        %add3A_371 = arith.addf %add3A_366, %mul3A_370 : vector<16xf32>
        %swap3A_372 = arith.constant 6 : i32
        %swap3A_373 = arith.index_cast %swap3A_372 : i32 to index
        %swap3A_374 = arith.constant 0 : index
        %swap3A_375 = tpu.vector_load %arg12[%swap3A_373, %swap3A_374] {strides = array<i32>} : memref<16x17xf32, #tpu.memory_space<vmem>>, vector<16xf32>,
        tpu.vector_store %arg12[%swap3A_373, %swap3A_374], %add3A_371 {strides = array<i32>} : memref<16x17xf32, #tpu.memory_space<vmem>>, vector<16xf32>,
        %add3A_376 = arith.constant 0 : i32
        %add3A_377 = arith.addi %mul3A_187, %add3A_376 : i32
        %add3A_378 = arith.constant 7 : i32
        %add3A_379 = arith.addi %add3A_377, %add3A_378 : i32
        %get3A_380 = arith.index_cast %add3A_379 : i32 to index
        %get3A_381 = arith.constant 0 : index
        %get3A_382 = tpu.vector_load %arg10[%get3A_380, %get3A_381] {strides = array<i32>} : memref<672x64xf32, #tpu.memory_space<vmem>>, vector<16xf32>,
        %mul3A_383 = arith.mulf %get3A_382, %get3A_176 : vector<16xf32>
        %get3A_384 = arith.index_cast %add3A_379 : i32 to index
        %get3A_385 = arith.constant 16 : index
        %get3A_386 = tpu.vector_load %arg10[%get3A_384, %get3A_385] {strides = array<i32>} : memref<672x64xf32, #tpu.memory_space<vmem>>, vector<16xf32>,
        %mul3A_387 = arith.mulf %get3A_386, %get3A_179 : vector<16xf32>
        %add3A_388 = arith.addf %mul3A_383, %mul3A_387 : vector<16xf32>
        %get3A_389 = arith.index_cast %add3A_379 : i32 to index
        %get3A_390 = arith.constant 32 : index
        %get3A_391 = tpu.vector_load %arg10[%get3A_389, %get3A_390] {strides = array<i32>} : memref<672x64xf32, #tpu.memory_space<vmem>>, vector<16xf32>,
        %mul3A_392 = arith.mulf %get3A_391, %get3A_182 : vector<16xf32>
        %add3A_393 = arith.addf %add3A_388, %mul3A_392 : vector<16xf32>
        %get3A_394 = arith.index_cast %add3A_379 : i32 to index
        %get3A_395 = arith.constant 48 : index
        %get3A_396 = tpu.vector_load %arg10[%get3A_394, %get3A_395] {strides = array<i32>} : memref<672x64xf32, #tpu.memory_space<vmem>>, vector<16xf32>,
        %mul3A_397 = arith.mulf %get3A_396, %get3A_185 : vector<16xf32>
        %add3A_398 = arith.addf %add3A_393, %mul3A_397 : vector<16xf32>
        %swap3A_399 = arith.constant 7 : i32
        %swap3A_400 = arith.index_cast %swap3A_399 : i32 to index
        %swap3A_401 = arith.constant 0 : index
        %swap3A_402 = tpu.vector_load %arg12[%swap3A_400, %swap3A_401] {strides = array<i32>} : memref<16x17xf32, #tpu.memory_space<vmem>>, vector<16xf32>,
        tpu.vector_store %arg12[%swap3A_400, %swap3A_401], %add3A_398 {strides = array<i32>} : memref<16x17xf32, #tpu.memory_space<vmem>>, vector<16xf32>,
        %add3A_403 = arith.constant 0 : i32
        %add3A_404 = arith.addi %mul3A_187, %add3A_403 : i32
        %add3A_405 = arith.constant 8 : i32
        %add3A_406 = arith.addi %add3A_404, %add3A_405 : i32
        %get3A_407 = arith.index_cast %add3A_406 : i32 to index
        %get3A_408 = arith.constant 0 : index
        %get3A_409 = tpu.vector_load %arg10[%get3A_407, %get3A_408] {strides = array<i32>} : memref<672x64xf32, #tpu.memory_space<vmem>>, vector<16xf32>,
        %mul3A_410 = arith.mulf %get3A_409, %get3A_176 : vector<16xf32>
        %get3A_411 = arith.index_cast %add3A_406 : i32 to index
        %get3A_412 = arith.constant 16 : index
        %get3A_413 = tpu.vector_load %arg10[%get3A_411, %get3A_412] {strides = array<i32>} : memref<672x64xf32, #tpu.memory_space<vmem>>, vector<16xf32>,
        %mul3A_414 = arith.mulf %get3A_413, %get3A_179 : vector<16xf32>
        %add3A_415 = arith.addf %mul3A_410, %mul3A_414 : vector<16xf32>
        %get3A_416 = arith.index_cast %add3A_406 : i32 to index
        %get3A_417 = arith.constant 32 : index
        %get3A_418 = tpu.vector_load %arg10[%get3A_416, %get3A_417] {strides = array<i32>} : memref<672x64xf32, #tpu.memory_space<vmem>>, vector<16xf32>,
        %mul3A_419 = arith.mulf %get3A_418, %get3A_182 : vector<16xf32>
        %add3A_420 = arith.addf %add3A_415, %mul3A_419 : vector<16xf32>
        %get3A_421 = arith.index_cast %add3A_406 : i32 to index
        %get3A_422 = arith.constant 48 : index
        %get3A_423 = tpu.vector_load %arg10[%get3A_421, %get3A_422] {strides = array<i32>} : memref<672x64xf32, #tpu.memory_space<vmem>>, vector<16xf32>,
        %mul3A_424 = arith.mulf %get3A_423, %get3A_185 : vector<16xf32>
        %add3A_425 = arith.addf %add3A_420, %mul3A_424 : vector<16xf32>
        %swap3A_426 = arith.constant 8 : i32
        %swap3A_427 = arith.index_cast %swap3A_426 : i32 to index
        %swap3A_428 = arith.constant 0 : index
        %swap3A_429 = tpu.vector_load %arg12[%swap3A_427, %swap3A_428] {strides = array<i32>} : memref<16x17xf32, #tpu.memory_space<vmem>>, vector<16xf32>,
        tpu.vector_store %arg12[%swap3A_427, %swap3A_428], %add3A_425 {strides = array<i32>} : memref<16x17xf32, #tpu.memory_space<vmem>>, vector<16xf32>,
        %add3A_430 = arith.constant 0 : i32
        %add3A_431 = arith.addi %mul3A_187, %add3A_430 : i32
        %add3A_432 = arith.constant 9 : i32
        %add3A_433 = arith.addi %add3A_431, %add3A_432 : i32
        %get3A_434 = arith.index_cast %add3A_433 : i32 to index
        %get3A_435 = arith.constant 0 : index
        %get3A_436 = tpu.vector_load %arg10[%get3A_434, %get3A_435] {strides = array<i32>} : memref<672x64xf32, #tpu.memory_space<vmem>>, vector<16xf32>,
        %mul3A_437 = arith.mulf %get3A_436, %get3A_176 : vector<16xf32>
        %get3A_438 = arith.index_cast %add3A_433 : i32 to index
        %get3A_439 = arith.constant 16 : index
        %get3A_440 = tpu.vector_load %arg10[%get3A_438, %get3A_439] {strides = array<i32>} : memref<672x64xf32, #tpu.memory_space<vmem>>, vector<16xf32>,
        %mul3A_441 = arith.mulf %get3A_440, %get3A_179 : vector<16xf32>
        %add3A_442 = arith.addf %mul3A_437, %mul3A_441 : vector<16xf32>
        %get3A_443 = arith.index_cast %add3A_433 : i32 to index
        %get3A_444 = arith.constant 32 : index
        %get3A_445 = tpu.vector_load %arg10[%get3A_443, %get3A_444] {strides = array<i32>} : memref<672x64xf32, #tpu.memory_space<vmem>>, vector<16xf32>,
        %mul3A_446 = arith.mulf %get3A_445, %get3A_182 : vector<16xf32>
        %add3A_447 = arith.addf %add3A_442, %mul3A_446 : vector<16xf32>
        %get3A_448 = arith.index_cast %add3A_433 : i32 to index
        %get3A_449 = arith.constant 48 : index
        %get3A_450 = tpu.vector_load %arg10[%get3A_448, %get3A_449] {strides = array<i32>} : memref<672x64xf32, #tpu.memory_space<vmem>>, vector<16xf32>,
        %mul3A_451 = arith.mulf %get3A_450, %get3A_185 : vector<16xf32>
        %add3A_452 = arith.addf %add3A_447, %mul3A_451 : vector<16xf32>
        %swap3A_453 = arith.constant 9 : i32
        %swap3A_454 = arith.index_cast %swap3A_453 : i32 to index
        %swap3A_455 = arith.constant 0 : index
        %swap3A_456 = tpu.vector_load %arg12[%swap3A_454, %swap3A_455] {strides = array<i32>} : memref<16x17xf32, #tpu.memory_space<vmem>>, vector<16xf32>,
        tpu.vector_store %arg12[%swap3A_454, %swap3A_455], %add3A_452 {strides = array<i32>} : memref<16x17xf32, #tpu.memory_space<vmem>>, vector<16xf32>,
        %add3A_457 = arith.constant 0 : i32
        %add3A_458 = arith.addi %mul3A_187, %add3A_457 : i32
        %add3A_459 = arith.constant 10 : i32
        %add3A_460 = arith.addi %add3A_458, %add3A_459 : i32
        %get3A_461 = arith.index_cast %add3A_460 : i32 to index
        %get3A_462 = arith.constant 0 : index
        %get3A_463 = tpu.vector_load %arg10[%get3A_461, %get3A_462] {strides = array<i32>} : memref<672x64xf32, #tpu.memory_space<vmem>>, vector<16xf32>,
        %mul3A_464 = arith.mulf %get3A_463, %get3A_176 : vector<16xf32>
        %get3A_465 = arith.index_cast %add3A_460 : i32 to index
        %get3A_466 = arith.constant 16 : index
        %get3A_467 = tpu.vector_load %arg10[%get3A_465, %get3A_466] {strides = array<i32>} : memref<672x64xf32, #tpu.memory_space<vmem>>, vector<16xf32>,
        %mul3A_468 = arith.mulf %get3A_467, %get3A_179 : vector<16xf32>
        %add3A_469 = arith.addf %mul3A_464, %mul3A_468 : vector<16xf32>
        %get3A_470 = arith.index_cast %add3A_460 : i32 to index
        %get3A_471 = arith.constant 32 : index
        %get3A_472 = tpu.vector_load %arg10[%get3A_470, %get3A_471] {strides = array<i32>} : memref<672x64xf32, #tpu.memory_space<vmem>>, vector<16xf32>,
        %mul3A_473 = arith.mulf %get3A_472, %get3A_182 : vector<16xf32>
        %add3A_474 = arith.addf %add3A_469, %mul3A_473 : vector<16xf32>
        %get3A_475 = arith.index_cast %add3A_460 : i32 to index
        %get3A_476 = arith.constant 48 : index
        %get3A_477 = tpu.vector_load %arg10[%get3A_475, %get3A_476] {strides = array<i32>} : memref<672x64xf32, #tpu.memory_space<vmem>>, vector<16xf32>,
        %mul3A_478 = arith.mulf %get3A_477, %get3A_185 : vector<16xf32>
        %add3A_479 = arith.addf %add3A_474, %mul3A_478 : vector<16xf32>
        %swap3A_480 = arith.constant 10 : i32
        %swap3A_481 = arith.index_cast %swap3A_480 : i32 to index
        %swap3A_482 = arith.constant 0 : index
        %swap3A_483 = tpu.vector_load %arg12[%swap3A_481, %swap3A_482] {strides = array<i32>} : memref<16x17xf32, #tpu.memory_space<vmem>>, vector<16xf32>,
        tpu.vector_store %arg12[%swap3A_481, %swap3A_482], %add3A_479 {strides = array<i32>} : memref<16x17xf32, #tpu.memory_space<vmem>>, vector<16xf32>,
        %add3A_484 = arith.constant 0 : i32
        %add3A_485 = arith.addi %mul3A_187, %add3A_484 : i32
        %add3A_486 = arith.constant 11 : i32
        %add3A_487 = arith.addi %add3A_485, %add3A_486 : i32
        %get3A_488 = arith.index_cast %add3A_487 : i32 to index
        %get3A_489 = arith.constant 0 : index
        %get3A_490 = tpu.vector_load %arg10[%get3A_488, %get3A_489] {strides = array<i32>} : memref<672x64xf32, #tpu.memory_space<vmem>>, vector<16xf32>,
        %mul3A_491 = arith.mulf %get3A_490, %get3A_176 : vector<16xf32>
        %get3A_492 = arith.index_cast %add3A_487 : i32 to index
        %get3A_493 = arith.constant 16 : index
        %get3A_494 = tpu.vector_load %arg10[%get3A_492, %get3A_493] {strides = array<i32>} : memref<672x64xf32, #tpu.memory_space<vmem>>, vector<16xf32>,
        %mul3A_495 = arith.mulf %get3A_494, %get3A_179 : vector<16xf32>
        %add3A_496 = arith.addf %mul3A_491, %mul3A_495 : vector<16xf32>
        %get3A_497 = arith.index_cast %add3A_487 : i32 to index
        %get3A_498 = arith.constant 32 : index
        %get3A_499 = tpu.vector_load %arg10[%get3A_497, %get3A_498] {strides = array<i32>} : memref<672x64xf32, #tpu.memory_space<vmem>>, vector<16xf32>,
        %mul3A_500 = arith.mulf %get3A_499, %get3A_182 : vector<16xf32>
        %add3A_501 = arith.addf %add3A_496, %mul3A_500 : vector<16xf32>
        %get3A_502 = arith.index_cast %add3A_487 : i32 to index
        %get3A_503 = arith.constant 48 : index
        %get3A_504 = tpu.vector_load %arg10[%get3A_502, %get3A_503] {strides = array<i32>} : memref<672x64xf32, #tpu.memory_space<vmem>>, vector<16xf32>,
        %mul3A_505 = arith.mulf %get3A_504, %get3A_185 : vector<16xf32>
        %add3A_506 = arith.addf %add3A_501, %mul3A_505 : vector<16xf32>
        %swap3A_507 = arith.constant 11 : i32
        %swap3A_508 = arith.index_cast %swap3A_507 : i32 to index
        %swap3A_509 = arith.constant 0 : index
        %swap3A_510 = tpu.vector_load %arg12[%swap3A_508, %swap3A_509] {strides = array<i32>} : memref<16x17xf32, #tpu.memory_space<vmem>>, vector<16xf32>,
        tpu.vector_store %arg12[%swap3A_508, %swap3A_509], %add3A_506 {strides = array<i32>} : memref<16x17xf32, #tpu.memory_space<vmem>>, vector<16xf32>,
        %add3A_511 = arith.constant 0 : i32
        %add3A_512 = arith.addi %mul3A_187, %add3A_511 : i32
        %add3A_513 = arith.constant 12 : i32
        %add3A_514 = arith.addi %add3A_512, %add3A_513 : i32
        %get3A_515 = arith.index_cast %add3A_514 : i32 to index
        %get3A_516 = arith.constant 0 : index
        %get3A_517 = tpu.vector_load %arg10[%get3A_515, %get3A_516] {strides = array<i32>} : memref<672x64xf32, #tpu.memory_space<vmem>>, vector<16xf32>,
        %mul3A_518 = arith.mulf %get3A_517, %get3A_176 : vector<16xf32>
        %get3A_519 = arith.index_cast %add3A_514 : i32 to index
        %get3A_520 = arith.constant 16 : index
        %get3A_521 = tpu.vector_load %arg10[%get3A_519, %get3A_520] {strides = array<i32>} : memref<672x64xf32, #tpu.memory_space<vmem>>, vector<16xf32>,
        %mul3A_522 = arith.mulf %get3A_521, %get3A_179 : vector<16xf32>
        %add3A_523 = arith.addf %mul3A_518, %mul3A_522 : vector<16xf32>
        %get3A_524 = arith.index_cast %add3A_514 : i32 to index
        %get3A_525 = arith.constant 32 : index
        %get3A_526 = tpu.vector_load %arg10[%get3A_524, %get3A_525] {strides = array<i32>} : memref<672x64xf32, #tpu.memory_space<vmem>>, vector<16xf32>,
        %mul3A_527 = arith.mulf %get3A_526, %get3A_182 : vector<16xf32>
        %add3A_528 = arith.addf %add3A_523, %mul3A_527 : vector<16xf32>
        %get3A_529 = arith.index_cast %add3A_514 : i32 to index
        %get3A_530 = arith.constant 48 : index
        %get3A_531 = tpu.vector_load %arg10[%get3A_529, %get3A_530] {strides = array<i32>} : memref<672x64xf32, #tpu.memory_space<vmem>>, vector<16xf32>,
        %mul3A_532 = arith.mulf %get3A_531, %get3A_185 : vector<16xf32>
        %add3A_533 = arith.addf %add3A_528, %mul3A_532 : vector<16xf32>
        %swap3A_534 = arith.constant 12 : i32
        %swap3A_535 = arith.index_cast %swap3A_534 : i32 to index
        %swap3A_536 = arith.constant 0 : index
        %swap3A_537 = tpu.vector_load %arg12[%swap3A_535, %swap3A_536] {strides = array<i32>} : memref<16x17xf32, #tpu.memory_space<vmem>>, vector<16xf32>,
        tpu.vector_store %arg12[%swap3A_535, %swap3A_536], %add3A_533 {strides = array<i32>} : memref<16x17xf32, #tpu.memory_space<vmem>>, vector<16xf32>,
        %add3A_538 = arith.constant 0 : i32
        %add3A_539 = arith.addi %mul3A_187, %add3A_538 : i32
        %add3A_540 = arith.constant 13 : i32
        %add3A_541 = arith.addi %add3A_539, %add3A_540 : i32
        %get3A_542 = arith.index_cast %add3A_541 : i32 to index
        %get3A_543 = arith.constant 0 : index
        %get3A_544 = tpu.vector_load %arg10[%get3A_542, %get3A_543] {strides = array<i32>} : memref<672x64xf32, #tpu.memory_space<vmem>>, vector<16xf32>,
        %mul3A_545 = arith.mulf %get3A_544, %get3A_176 : vector<16xf32>
        %get3A_546 = arith.index_cast %add3A_541 : i32 to index
        %get3A_547 = arith.constant 16 : index
        %get3A_548 = tpu.vector_load %arg10[%get3A_546, %get3A_547] {strides = array<i32>} : memref<672x64xf32, #tpu.memory_space<vmem>>, vector<16xf32>,
        %mul3A_549 = arith.mulf %get3A_548, %get3A_179 : vector<16xf32>
        %add3A_550 = arith.addf %mul3A_545, %mul3A_549 : vector<16xf32>
        %get3A_551 = arith.index_cast %add3A_541 : i32 to index
        %get3A_552 = arith.constant 32 : index
        %get3A_553 = tpu.vector_load %arg10[%get3A_551, %get3A_552] {strides = array<i32>} : memref<672x64xf32, #tpu.memory_space<vmem>>, vector<16xf32>,
        %mul3A_554 = arith.mulf %get3A_553, %get3A_182 : vector<16xf32>
        %add3A_555 = arith.addf %add3A_550, %mul3A_554 : vector<16xf32>
        %get3A_556 = arith.index_cast %add3A_541 : i32 to index
        %get3A_557 = arith.constant 48 : index
        %get3A_558 = tpu.vector_load %arg10[%get3A_556, %get3A_557] {strides = array<i32>} : memref<672x64xf32, #tpu.memory_space<vmem>>, vector<16xf32>,
        %mul3A_559 = arith.mulf %get3A_558, %get3A_185 : vector<16xf32>
        %add3A_560 = arith.addf %add3A_555, %mul3A_559 : vector<16xf32>
        %swap3A_561 = arith.constant 13 : i32
        %swap3A_562 = arith.index_cast %swap3A_561 : i32 to index
        %swap3A_563 = arith.constant 0 : index
        %swap3A_564 = tpu.vector_load %arg12[%swap3A_562, %swap3A_563] {strides = array<i32>} : memref<16x17xf32, #tpu.memory_space<vmem>>, vector<16xf32>,
        tpu.vector_store %arg12[%swap3A_562, %swap3A_563], %add3A_560 {strides = array<i32>} : memref<16x17xf32, #tpu.memory_space<vmem>>, vector<16xf32>,
        %add3A_565 = arith.constant 0 : i32
        %add3A_566 = arith.addi %mul3A_187, %add3A_565 : i32
        %add3A_567 = arith.constant 14 : i32
        %add3A_568 = arith.addi %add3A_566, %add3A_567 : i32
        %get3A_569 = arith.index_cast %add3A_568 : i32 to index
        %get3A_570 = arith.constant 0 : index
        %get3A_571 = tpu.vector_load %arg10[%get3A_569, %get3A_570] {strides = array<i32>} : memref<672x64xf32, #tpu.memory_space<vmem>>, vector<16xf32>,
        %mul3A_572 = arith.mulf %get3A_571, %get3A_176 : vector<16xf32>
        %get3A_573 = arith.index_cast %add3A_568 : i32 to index
        %get3A_574 = arith.constant 16 : index
        %get3A_575 = tpu.vector_load %arg10[%get3A_573, %get3A_574] {strides = array<i32>} : memref<672x64xf32, #tpu.memory_space<vmem>>, vector<16xf32>,
        %mul3A_576 = arith.mulf %get3A_575, %get3A_179 : vector<16xf32>
        %add3A_577 = arith.addf %mul3A_572, %mul3A_576 : vector<16xf32>
        %get3A_578 = arith.index_cast %add3A_568 : i32 to index
        %get3A_579 = arith.constant 32 : index
        %get3A_580 = tpu.vector_load %arg10[%get3A_578, %get3A_579] {strides = array<i32>} : memref<672x64xf32, #tpu.memory_space<vmem>>, vector<16xf32>,
        %mul3A_581 = arith.mulf %get3A_580, %get3A_182 : vector<16xf32>
        %add3A_582 = arith.addf %add3A_577, %mul3A_581 : vector<16xf32>
        %get3A_583 = arith.index_cast %add3A_568 : i32 to index
        %get3A_584 = arith.constant 48 : index
        %get3A_585 = tpu.vector_load %arg10[%get3A_583, %get3A_584] {strides = array<i32>} : memref<672x64xf32, #tpu.memory_space<vmem>>, vector<16xf32>,
        %mul3A_586 = arith.mulf %get3A_585, %get3A_185 : vector<16xf32>
        %add3A_587 = arith.addf %add3A_582, %mul3A_586 : vector<16xf32>
        %swap3A_588 = arith.constant 14 : i32
        %swap3A_589 = arith.index_cast %swap3A_588 : i32 to index
        %swap3A_590 = arith.constant 0 : index
        %swap3A_591 = tpu.vector_load %arg12[%swap3A_589, %swap3A_590] {strides = array<i32>} : memref<16x17xf32, #tpu.memory_space<vmem>>, vector<16xf32>,
        tpu.vector_store %arg12[%swap3A_589, %swap3A_590], %add3A_587 {strides = array<i32>} : memref<16x17xf32, #tpu.memory_space<vmem>>, vector<16xf32>,
        %add3A_592 = arith.constant 0 : i32
        %add3A_593 = arith.addi %mul3A_187, %add3A_592 : i32
        %add3A_594 = arith.constant 15 : i32
        %add3A_595 = arith.addi %add3A_593, %add3A_594 : i32
        %get3A_596 = arith.index_cast %add3A_595 : i32 to index
        %get3A_597 = arith.constant 0 : index
        %get3A_598 = tpu.vector_load %arg10[%get3A_596, %get3A_597] {strides = array<i32>} : memref<672x64xf32, #tpu.memory_space<vmem>>, vector<16xf32>,
        %mul3A_599 = arith.mulf %get3A_598, %get3A_176 : vector<16xf32>
        %get3A_600 = arith.index_cast %add3A_595 : i32 to index
        %get3A_601 = arith.constant 16 : index
        %get3A_602 = tpu.vector_load %arg10[%get3A_600, %get3A_601] {strides = array<i32>} : memref<672x64xf32, #tpu.memory_space<vmem>>, vector<16xf32>,
        %mul3A_603 = arith.mulf %get3A_602, %get3A_179 : vector<16xf32>
        %add3A_604 = arith.addf %mul3A_599, %mul3A_603 : vector<16xf32>
        %get3A_605 = arith.index_cast %add3A_595 : i32 to index
        %get3A_606 = arith.constant 32 : index
        %get3A_607 = tpu.vector_load %arg10[%get3A_605, %get3A_606] {strides = array<i32>} : memref<672x64xf32, #tpu.memory_space<vmem>>, vector<16xf32>,
        %mul3A_608 = arith.mulf %get3A_607, %get3A_182 : vector<16xf32>
        %add3A_609 = arith.addf %add3A_604, %mul3A_608 : vector<16xf32>
        %get3A_610 = arith.index_cast %add3A_595 : i32 to index
        %get3A_611 = arith.constant 48 : index
        %get3A_612 = tpu.vector_load %arg10[%get3A_610, %get3A_611] {strides = array<i32>} : memref<672x64xf32, #tpu.memory_space<vmem>>, vector<16xf32>,
        %mul3A_613 = arith.mulf %get3A_612, %get3A_185 : vector<16xf32>
        %add3A_614 = arith.addf %add3A_609, %mul3A_613 : vector<16xf32>
        %swap3A_615 = arith.constant 15 : i32
        %swap3A_616 = arith.index_cast %swap3A_615 : i32 to index
        %swap3A_617 = arith.constant 0 : index
        %swap3A_618 = tpu.vector_load %arg12[%swap3A_616, %swap3A_617] {strides = array<i32>} : memref<16x17xf32, #tpu.memory_space<vmem>>, vector<16xf32>,
        tpu.vector_store %arg12[%swap3A_616, %swap3A_617], %add3A_614 {strides = array<i32>} : memref<16x17xf32, #tpu.memory_space<vmem>>, vector<16xf32>,
        %broadcast_in_dim3A = arith.constant 0 : i32
        %broadcast_in_dim3A_619 = vector.broadcast %broadcast_in_dim3A : i32 to vector<16xi32>
        %gather3A = tpu.vector_load_idx %arg12[%iota3A, %broadcast_in_dim3A_619] : memref<16x17xf32, #tpu.memory_space<vmem>>[vector<16xi32>, vector<16xi32>], vector<16xf32>,
        %broadcast_in_dim3A_620 = arith.constant 1 : i32
        %broadcast_in_dim3A_621 = vector.broadcast %broadcast_in_dim3A_620 : i32 to vector<16xi32>
        %gather3A_622 = tpu.vector_load_idx %arg12[%iota3A, %broadcast_in_dim3A_621] : memref<16x17xf32, #tpu.memory_space<vmem>>[vector<16xi32>, vector<16xi32>], vector<16xf32>,
        %add3A_623 = arith.addf %gather3A, %gather3A_622 : vector<16xf32>
        %broadcast_in_dim3A_624 = arith.constant 2 : i32
        %broadcast_in_dim3A_625 = vector.broadcast %broadcast_in_dim3A_624 : i32 to vector<16xi32>
        %gather3A_626 = tpu.vector_load_idx %arg12[%iota3A, %broadcast_in_dim3A_625] : memref<16x17xf32, #tpu.memory_space<vmem>>[vector<16xi32>, vector<16xi32>], vector<16xf32>,
        %add3A_627 = arith.addf %add3A_623, %gather3A_626 : vector<16xf32>
        %broadcast_in_dim3A_628 = arith.constant 3 : i32
        %broadcast_in_dim3A_629 = vector.broadcast %broadcast_in_dim3A_628 : i32 to vector<16xi32>
        %gather3A_630 = tpu.vector_load_idx %arg12[%iota3A, %broadcast_in_dim3A_629] : memref<16x17xf32, #tpu.memory_space<vmem>>[vector<16xi32>, vector<16xi32>], vector<16xf32>,
        %add3A_631 = arith.addf %add3A_627, %gather3A_630 : vector<16xf32>
        %broadcast_in_dim3A_632 = arith.constant 4 : i32
        %broadcast_in_dim3A_633 = vector.broadcast %broadcast_in_dim3A_632 : i32 to vector<16xi32>
        %gather3A_634 = tpu.vector_load_idx %arg12[%iota3A, %broadcast_in_dim3A_633] : memref<16x17xf32, #tpu.memory_space<vmem>>[vector<16xi32>, vector<16xi32>], vector<16xf32>,
        %add3A_635 = arith.addf %add3A_631, %gather3A_634 : vector<16xf32>
        %broadcast_in_dim3A_636 = arith.constant 5 : i32
        %broadcast_in_dim3A_637 = vector.broadcast %broadcast_in_dim3A_636 : i32 to vector<16xi32>
        %gather3A_638 = tpu.vector_load_idx %arg12[%iota3A, %broadcast_in_dim3A_637] : memref<16x17xf32, #tpu.memory_space<vmem>>[vector<16xi32>, vector<16xi32>], vector<16xf32>,
        %add3A_639 = arith.addf %add3A_635, %gather3A_638 : vector<16xf32>
        %broadcast_in_dim3A_640 = arith.constant 6 : i32
        %broadcast_in_dim3A_641 = vector.broadcast %broadcast_in_dim3A_640 : i32 to vector<16xi32>
        %gather3A_642 = tpu.vector_load_idx %arg12[%iota3A, %broadcast_in_dim3A_641] : memref<16x17xf32, #tpu.memory_space<vmem>>[vector<16xi32>, vector<16xi32>], vector<16xf32>,
        %add3A_643 = arith.addf %add3A_639, %gather3A_642 : vector<16xf32>
        %broadcast_in_dim3A_644 = arith.constant 7 : i32
        %broadcast_in_dim3A_645 = vector.broadcast %broadcast_in_dim3A_644 : i32 to vector<16xi32>
        %gather3A_646 = tpu.vector_load_idx %arg12[%iota3A, %broadcast_in_dim3A_645] : memref<16x17xf32, #tpu.memory_space<vmem>>[vector<16xi32>, vector<16xi32>], vector<16xf32>,
        %add3A_647 = arith.addf %add3A_643, %gather3A_646 : vector<16xf32>
        %broadcast_in_dim3A_648 = arith.constant 8 : i32
        %broadcast_in_dim3A_649 = vector.broadcast %broadcast_in_dim3A_648 : i32 to vector<16xi32>
        %gather3A_650 = tpu.vector_load_idx %arg12[%iota3A, %broadcast_in_dim3A_649] : memref<16x17xf32, #tpu.memory_space<vmem>>[vector<16xi32>, vector<16xi32>], vector<16xf32>,
        %add3A_651 = arith.addf %add3A_647, %gather3A_650 : vector<16xf32>
        %broadcast_in_dim3A_652 = arith.constant 9 : i32
        %broadcast_in_dim3A_653 = vector.broadcast %broadcast_in_dim3A_652 : i32 to vector<16xi32>
        %gather3A_654 = tpu.vector_load_idx %arg12[%iota3A, %broadcast_in_dim3A_653] : memref<16x17xf32, #tpu.memory_space<vmem>>[vector<16xi32>, vector<16xi32>], vector<16xf32>,
        %add3A_655 = arith.addf %add3A_651, %gather3A_654 : vector<16xf32>
        %broadcast_in_dim3A_656 = arith.constant 10 : i32
        %broadcast_in_dim3A_657 = vector.broadcast %broadcast_in_dim3A_656 : i32 to vector<16xi32>
        %gather3A_658 = tpu.vector_load_idx %arg12[%iota3A, %broadcast_in_dim3A_657] : memref<16x17xf32, #tpu.memory_space<vmem>>[vector<16xi32>, vector<16xi32>], vector<16xf32>,
        %add3A_659 = arith.addf %add3A_655, %gather3A_658 : vector<16xf32>
        %broadcast_in_dim3A_660 = arith.constant 11 : i32
        %broadcast_in_dim3A_661 = vector.broadcast %broadcast_in_dim3A_660 : i32 to vector<16xi32>
        %gather3A_662 = tpu.vector_load_idx %arg12[%iota3A, %broadcast_in_dim3A_661] : memref<16x17xf32, #tpu.memory_space<vmem>>[vector<16xi32>, vector<16xi32>], vector<16xf32>,
        %add3A_663 = arith.addf %add3A_659, %gather3A_662 : vector<16xf32>
        %broadcast_in_dim3A_664 = arith.constant 12 : i32
        %broadcast_in_dim3A_665 = vector.broadcast %broadcast_in_dim3A_664 : i32 to vector<16xi32>
        %gather3A_666 = tpu.vector_load_idx %arg12[%iota3A, %broadcast_in_dim3A_665] : memref<16x17xf32, #tpu.memory_space<vmem>>[vector<16xi32>, vector<16xi32>], vector<16xf32>,
        %add3A_667 = arith.addf %add3A_663, %gather3A_666 : vector<16xf32>
        %broadcast_in_dim3A_668 = arith.constant 13 : i32
        %broadcast_in_dim3A_669 = vector.broadcast %broadcast_in_dim3A_668 : i32 to vector<16xi32>
        %gather3A_670 = tpu.vector_load_idx %arg12[%iota3A, %broadcast_in_dim3A_669] : memref<16x17xf32, #tpu.memory_space<vmem>>[vector<16xi32>, vector<16xi32>], vector<16xf32>,
        %add3A_671 = arith.addf %add3A_667, %gather3A_670 : vector<16xf32>
        %broadcast_in_dim3A_672 = arith.constant 14 : i32
        %broadcast_in_dim3A_673 = vector.broadcast %broadcast_in_dim3A_672 : i32 to vector<16xi32>
        %gather3A_674 = tpu.vector_load_idx %arg12[%iota3A, %broadcast_in_dim3A_673] : memref<16x17xf32, #tpu.memory_space<vmem>>[vector<16xi32>, vector<16xi32>], vector<16xf32>,
        %add3A_675 = arith.addf %add3A_671, %gather3A_674 : vector<16xf32>
        %broadcast_in_dim3A_676 = arith.constant 15 : i32
        %broadcast_in_dim3A_677 = vector.broadcast %broadcast_in_dim3A_676 : i32 to vector<16xi32>
        %gather3A_678 = tpu.vector_load_idx %arg12[%iota3A, %broadcast_in_dim3A_677] : memref<16x17xf32, #tpu.memory_space<vmem>>[vector<16xi32>, vector<16xi32>], vector<16xf32>,
        %add3A_679 = arith.addf %add3A_675, %gather3A_678 : vector<16xf32>
        %add3A_680 = arith.constant 0 : i32
        %add3A_681 = arith.addi %mul3A_187, %add3A_680 : i32
        %broadcast_in_dim3A_682 = vector.broadcast %add3A_681 : i32 to vector<16xi32>
        %add3A_683 = arith.addi %broadcast_in_dim3A_682, %iota3A : vector<16xi32>
        %lt3A = arith.constant 16 : i32
        %lt3A_684 = vector.broadcast %lt3A : i32 to vector<16xi32>
        %lt3A_685 = arith.cmpi slt, %iota3A, %lt3A_684 : vector<16xi32>
        tpu.vector_store_idx %arg11[%add3A_683], %add3A_679 masked %lt3A_685 : memref<672xf32, #tpu.memory_space<vmem>>[vector<16xi32>], vector<16xf32>, vector<16xi1>
        %add3A_686 = arith.constant 16 : i32
        %add3A_687 = arith.addi %mul3A_187, %add3A_686 : i32
        %add3A_688 = arith.constant 0 : i32
        %add3A_689 = arith.addi %add3A_687, %add3A_688 : i32
        %get3A_690 = arith.index_cast %add3A_689 : i32 to index
        %get3A_691 = arith.constant 0 : index
        %get3A_692 = tpu.vector_load %arg10[%get3A_690, %get3A_691] {strides = array<i32>} : memref<672x64xf32, #tpu.memory_space<vmem>>, vector<16xf32>,
        %mul3A_693 = arith.mulf %get3A_692, %get3A_176 : vector<16xf32>
        %get3A_694 = arith.index_cast %add3A_689 : i32 to index
        %get3A_695 = arith.constant 16 : index
        %get3A_696 = tpu.vector_load %arg10[%get3A_694, %get3A_695] {strides = array<i32>} : memref<672x64xf32, #tpu.memory_space<vmem>>, vector<16xf32>,
        %mul3A_697 = arith.mulf %get3A_696, %get3A_179 : vector<16xf32>
        %add3A_698 = arith.addf %mul3A_693, %mul3A_697 : vector<16xf32>
        %get3A_699 = arith.index_cast %add3A_689 : i32 to index
        %get3A_700 = arith.constant 32 : index
        %get3A_701 = tpu.vector_load %arg10[%get3A_699, %get3A_700] {strides = array<i32>} : memref<672x64xf32, #tpu.memory_space<vmem>>, vector<16xf32>,
        %mul3A_702 = arith.mulf %get3A_701, %get3A_182 : vector<16xf32>
        %add3A_703 = arith.addf %add3A_698, %mul3A_702 : vector<16xf32>
        %get3A_704 = arith.index_cast %add3A_689 : i32 to index
        %get3A_705 = arith.constant 48 : index
        %get3A_706 = tpu.vector_load %arg10[%get3A_704, %get3A_705] {strides = array<i32>} : memref<672x64xf32, #tpu.memory_space<vmem>>, vector<16xf32>,
        %mul3A_707 = arith.mulf %get3A_706, %get3A_185 : vector<16xf32>
        %add3A_708 = arith.addf %add3A_703, %mul3A_707 : vector<16xf32>
        %swap3A_709 = arith.constant 0 : i32
        %swap3A_710 = arith.index_cast %swap3A_709 : i32 to index
        %swap3A_711 = arith.constant 0 : index
        %swap3A_712 = tpu.vector_load %arg12[%swap3A_710, %swap3A_711] {strides = array<i32>} : memref<16x17xf32, #tpu.memory_space<vmem>>, vector<16xf32>,
        tpu.vector_store %arg12[%swap3A_710, %swap3A_711], %add3A_708 {strides = array<i32>} : memref<16x17xf32, #tpu.memory_space<vmem>>, vector<16xf32>,
        %add3A_713 = arith.constant 16 : i32
        %add3A_714 = arith.addi %mul3A_187, %add3A_713 : i32
        %add3A_715 = arith.constant 1 : i32
        %add3A_716 = arith.addi %add3A_714, %add3A_715 : i32
        %get3A_717 = arith.index_cast %add3A_716 : i32 to index
        %get3A_718 = arith.constant 0 : index
        %get3A_719 = tpu.vector_load %arg10[%get3A_717, %get3A_718] {strides = array<i32>} : memref<672x64xf32, #tpu.memory_space<vmem>>, vector<16xf32>,
        %mul3A_720 = arith.mulf %get3A_719, %get3A_176 : vector<16xf32>
        %get3A_721 = arith.index_cast %add3A_716 : i32 to index
        %get3A_722 = arith.constant 16 : index
        %get3A_723 = tpu.vector_load %arg10[%get3A_721, %get3A_722] {strides = array<i32>} : memref<672x64xf32, #tpu.memory_space<vmem>>, vector<16xf32>,
        %mul3A_724 = arith.mulf %get3A_723, %get3A_179 : vector<16xf32>
        %add3A_725 = arith.addf %mul3A_720, %mul3A_724 : vector<16xf32>
        %get3A_726 = arith.index_cast %add3A_716 : i32 to index
        %get3A_727 = arith.constant 32 : index
        %get3A_728 = tpu.vector_load %arg10[%get3A_726, %get3A_727] {strides = array<i32>} : memref<672x64xf32, #tpu.memory_space<vmem>>, vector<16xf32>,
        %mul3A_729 = arith.mulf %get3A_728, %get3A_182 : vector<16xf32>
        %add3A_730 = arith.addf %add3A_725, %mul3A_729 : vector<16xf32>
        %get3A_731 = arith.index_cast %add3A_716 : i32 to index
        %get3A_732 = arith.constant 48 : index
        %get3A_733 = tpu.vector_load %arg10[%get3A_731, %get3A_732] {strides = array<i32>} : memref<672x64xf32, #tpu.memory_space<vmem>>, vector<16xf32>,
        %mul3A_734 = arith.mulf %get3A_733, %get3A_185 : vector<16xf32>
        %add3A_735 = arith.addf %add3A_730, %mul3A_734 : vector<16xf32>
        %swap3A_736 = arith.constant 1 : i32
        %swap3A_737 = arith.index_cast %swap3A_736 : i32 to index
        %swap3A_738 = arith.constant 0 : index
        %swap3A_739 = tpu.vector_load %arg12[%swap3A_737, %swap3A_738] {strides = array<i32>} : memref<16x17xf32, #tpu.memory_space<vmem>>, vector<16xf32>,
        tpu.vector_store %arg12[%swap3A_737, %swap3A_738], %add3A_735 {strides = array<i32>} : memref<16x17xf32, #tpu.memory_space<vmem>>, vector<16xf32>,
        %add3A_740 = arith.constant 16 : i32
        %add3A_741 = arith.addi %mul3A_187, %add3A_740 : i32
        %add3A_742 = arith.constant 2 : i32
        %add3A_743 = arith.addi %add3A_741, %add3A_742 : i32
        %get3A_744 = arith.index_cast %add3A_743 : i32 to index
        %get3A_745 = arith.constant 0 : index
        %get3A_746 = tpu.vector_load %arg10[%get3A_744, %get3A_745] {strides = array<i32>} : memref<672x64xf32, #tpu.memory_space<vmem>>, vector<16xf32>,
        %mul3A_747 = arith.mulf %get3A_746, %get3A_176 : vector<16xf32>
        %get3A_748 = arith.index_cast %add3A_743 : i32 to index
        %get3A_749 = arith.constant 16 : index
        %get3A_750 = tpu.vector_load %arg10[%get3A_748, %get3A_749] {strides = array<i32>} : memref<672x64xf32, #tpu.memory_space<vmem>>, vector<16xf32>,
        %mul3A_751 = arith.mulf %get3A_750, %get3A_179 : vector<16xf32>
        %add3A_752 = arith.addf %mul3A_747, %mul3A_751 : vector<16xf32>
        %get3A_753 = arith.index_cast %add3A_743 : i32 to index
        %get3A_754 = arith.constant 32 : index
        %get3A_755 = tpu.vector_load %arg10[%get3A_753, %get3A_754] {strides = array<i32>} : memref<672x64xf32, #tpu.memory_space<vmem>>, vector<16xf32>,
        %mul3A_756 = arith.mulf %get3A_755, %get3A_182 : vector<16xf32>
        %add3A_757 = arith.addf %add3A_752, %mul3A_756 : vector<16xf32>
        %get3A_758 = arith.index_cast %add3A_743 : i32 to index
        %get3A_759 = arith.constant 48 : index
        %get3A_760 = tpu.vector_load %arg10[%get3A_758, %get3A_759] {strides = array<i32>} : memref<672x64xf32, #tpu.memory_space<vmem>>, vector<16xf32>,
        %mul3A_761 = arith.mulf %get3A_760, %get3A_185 : vector<16xf32>
        %add3A_762 = arith.addf %add3A_757, %mul3A_761 : vector<16xf32>
        %swap3A_763 = arith.constant 2 : i32
        %swap3A_764 = arith.index_cast %swap3A_763 : i32 to index
        %swap3A_765 = arith.constant 0 : index
        %swap3A_766 = tpu.vector_load %arg12[%swap3A_764, %swap3A_765] {strides = array<i32>} : memref<16x17xf32, #tpu.memory_space<vmem>>, vector<16xf32>,
        tpu.vector_store %arg12[%swap3A_764, %swap3A_765], %add3A_762 {strides = array<i32>} : memref<16x17xf32, #tpu.memory_space<vmem>>, vector<16xf32>,
        %add3A_767 = arith.constant 16 : i32
        %add3A_768 = arith.addi %mul3A_187, %add3A_767 : i32
        %add3A_769 = arith.constant 3 : i32
        %add3A_770 = arith.addi %add3A_768, %add3A_769 : i32
        %get3A_771 = arith.index_cast %add3A_770 : i32 to index
        %get3A_772 = arith.constant 0 : index
        %get3A_773 = tpu.vector_load %arg10[%get3A_771, %get3A_772] {strides = array<i32>} : memref<672x64xf32, #tpu.memory_space<vmem>>, vector<16xf32>,
        %mul3A_774 = arith.mulf %get3A_773, %get3A_176 : vector<16xf32>
        %get3A_775 = arith.index_cast %add3A_770 : i32 to index
        %get3A_776 = arith.constant 16 : index
        %get3A_777 = tpu.vector_load %arg10[%get3A_775, %get3A_776] {strides = array<i32>} : memref<672x64xf32, #tpu.memory_space<vmem>>, vector<16xf32>,
        %mul3A_778 = arith.mulf %get3A_777, %get3A_179 : vector<16xf32>
        %add3A_779 = arith.addf %mul3A_774, %mul3A_778 : vector<16xf32>
        %get3A_780 = arith.index_cast %add3A_770 : i32 to index
        %get3A_781 = arith.constant 32 : index
        %get3A_782 = tpu.vector_load %arg10[%get3A_780, %get3A_781] {strides = array<i32>} : memref<672x64xf32, #tpu.memory_space<vmem>>, vector<16xf32>,
        %mul3A_783 = arith.mulf %get3A_782, %get3A_182 : vector<16xf32>
        %add3A_784 = arith.addf %add3A_779, %mul3A_783 : vector<16xf32>
        %get3A_785 = arith.index_cast %add3A_770 : i32 to index
        %get3A_786 = arith.constant 48 : index
        %get3A_787 = tpu.vector_load %arg10[%get3A_785, %get3A_786] {strides = array<i32>} : memref<672x64xf32, #tpu.memory_space<vmem>>, vector<16xf32>,
        %mul3A_788 = arith.mulf %get3A_787, %get3A_185 : vector<16xf32>
        %add3A_789 = arith.addf %add3A_784, %mul3A_788 : vector<16xf32>
        %swap3A_790 = arith.constant 3 : i32
        %swap3A_791 = arith.index_cast %swap3A_790 : i32 to index
        %swap3A_792 = arith.constant 0 : index
        %swap3A_793 = tpu.vector_load %arg12[%swap3A_791, %swap3A_792] {strides = array<i32>} : memref<16x17xf32, #tpu.memory_space<vmem>>, vector<16xf32>,
        tpu.vector_store %arg12[%swap3A_791, %swap3A_792], %add3A_789 {strides = array<i32>} : memref<16x17xf32, #tpu.memory_space<vmem>>, vector<16xf32>,
        %add3A_794 = arith.constant 16 : i32
        %add3A_795 = arith.addi %mul3A_187, %add3A_794 : i32
        %add3A_796 = arith.constant 4 : i32
        %add3A_797 = arith.addi %add3A_795, %add3A_796 : i32
        %get3A_798 = arith.index_cast %add3A_797 : i32 to index
        %get3A_799 = arith.constant 0 : index
        %get3A_800 = tpu.vector_load %arg10[%get3A_798, %get3A_799] {strides = array<i32>} : memref<672x64xf32, #tpu.memory_space<vmem>>, vector<16xf32>,
        %mul3A_801 = arith.mulf %get3A_800, %get3A_176 : vector<16xf32>
        %get3A_802 = arith.index_cast %add3A_797 : i32 to index
        %get3A_803 = arith.constant 16 : index
        %get3A_804 = tpu.vector_load %arg10[%get3A_802, %get3A_803] {strides = array<i32>} : memref<672x64xf32, #tpu.memory_space<vmem>>, vector<16xf32>,
        %mul3A_805 = arith.mulf %get3A_804, %get3A_179 : vector<16xf32>
        %add3A_806 = arith.addf %mul3A_801, %mul3A_805 : vector<16xf32>
        %get3A_807 = arith.index_cast %add3A_797 : i32 to index
        %get3A_808 = arith.constant 32 : index
        %get3A_809 = tpu.vector_load %arg10[%get3A_807, %get3A_808] {strides = array<i32>} : memref<672x64xf32, #tpu.memory_space<vmem>>, vector<16xf32>,
        %mul3A_810 = arith.mulf %get3A_809, %get3A_182 : vector<16xf32>
        %add3A_811 = arith.addf %add3A_806, %mul3A_810 : vector<16xf32>
        %get3A_812 = arith.index_cast %add3A_797 : i32 to index
        %get3A_813 = arith.constant 48 : index
        %get3A_814 = tpu.vector_load %arg10[%get3A_812, %get3A_813] {strides = array<i32>} : memref<672x64xf32, #tpu.memory_space<vmem>>, vector<16xf32>,
        %mul3A_815 = arith.mulf %get3A_814, %get3A_185 : vector<16xf32>
        %add3A_816 = arith.addf %add3A_811, %mul3A_815 : vector<16xf32>
        %swap3A_817 = arith.constant 4 : i32
        %swap3A_818 = arith.index_cast %swap3A_817 : i32 to index
        %swap3A_819 = arith.constant 0 : index
        %swap3A_820 = tpu.vector_load %arg12[%swap3A_818, %swap3A_819] {strides = array<i32>} : memref<16x17xf32, #tpu.memory_space<vmem>>, vector<16xf32>,
        tpu.vector_store %arg12[%swap3A_818, %swap3A_819], %add3A_816 {strides = array<i32>} : memref<16x17xf32, #tpu.memory_space<vmem>>, vector<16xf32>,
        %broadcast_in_dim3A_821 = arith.constant 0 : i32
        %broadcast_in_dim3A_822 = vector.broadcast %broadcast_in_dim3A_821 : i32 to vector<16xi32>
        %gather3A_823 = tpu.vector_load_idx %arg12[%iota3A, %broadcast_in_dim3A_822] : memref<16x17xf32, #tpu.memory_space<vmem>>[vector<16xi32>, vector<16xi32>], vector<16xf32>,
        %broadcast_in_dim3A_824 = arith.constant 1 : i32
        %broadcast_in_dim3A_825 = vector.broadcast %broadcast_in_dim3A_824 : i32 to vector<16xi32>
        %gather3A_826 = tpu.vector_load_idx %arg12[%iota3A, %broadcast_in_dim3A_825] : memref<16x17xf32, #tpu.memory_space<vmem>>[vector<16xi32>, vector<16xi32>], vector<16xf32>,
        %add3A_827 = arith.addf %gather3A_823, %gather3A_826 : vector<16xf32>
        %broadcast_in_dim3A_828 = arith.constant 2 : i32
        %broadcast_in_dim3A_829 = vector.broadcast %broadcast_in_dim3A_828 : i32 to vector<16xi32>
        %gather3A_830 = tpu.vector_load_idx %arg12[%iota3A, %broadcast_in_dim3A_829] : memref<16x17xf32, #tpu.memory_space<vmem>>[vector<16xi32>, vector<16xi32>], vector<16xf32>,
        %add3A_831 = arith.addf %add3A_827, %gather3A_830 : vector<16xf32>
        %broadcast_in_dim3A_832 = arith.constant 3 : i32
        %broadcast_in_dim3A_833 = vector.broadcast %broadcast_in_dim3A_832 : i32 to vector<16xi32>
        %gather3A_834 = tpu.vector_load_idx %arg12[%iota3A, %broadcast_in_dim3A_833] : memref<16x17xf32, #tpu.memory_space<vmem>>[vector<16xi32>, vector<16xi32>], vector<16xf32>,
        %add3A_835 = arith.addf %add3A_831, %gather3A_834 : vector<16xf32>
        %broadcast_in_dim3A_836 = arith.constant 4 : i32
        %broadcast_in_dim3A_837 = vector.broadcast %broadcast_in_dim3A_836 : i32 to vector<16xi32>
        %gather3A_838 = tpu.vector_load_idx %arg12[%iota3A, %broadcast_in_dim3A_837] : memref<16x17xf32, #tpu.memory_space<vmem>>[vector<16xi32>, vector<16xi32>], vector<16xf32>,
        %add3A_839 = arith.addf %add3A_835, %gather3A_838 : vector<16xf32>
        %broadcast_in_dim3A_840 = arith.constant 5 : i32
        %broadcast_in_dim3A_841 = vector.broadcast %broadcast_in_dim3A_840 : i32 to vector<16xi32>
        %gather3A_842 = tpu.vector_load_idx %arg12[%iota3A, %broadcast_in_dim3A_841] : memref<16x17xf32, #tpu.memory_space<vmem>>[vector<16xi32>, vector<16xi32>], vector<16xf32>,
        %add3A_843 = arith.addf %add3A_839, %gather3A_842 : vector<16xf32>
        %broadcast_in_dim3A_844 = arith.constant 6 : i32
        %broadcast_in_dim3A_845 = vector.broadcast %broadcast_in_dim3A_844 : i32 to vector<16xi32>
        %gather3A_846 = tpu.vector_load_idx %arg12[%iota3A, %broadcast_in_dim3A_845] : memref<16x17xf32, #tpu.memory_space<vmem>>[vector<16xi32>, vector<16xi32>], vector<16xf32>,
        %add3A_847 = arith.addf %add3A_843, %gather3A_846 : vector<16xf32>
        %broadcast_in_dim3A_848 = arith.constant 7 : i32
        %broadcast_in_dim3A_849 = vector.broadcast %broadcast_in_dim3A_848 : i32 to vector<16xi32>
        %gather3A_850 = tpu.vector_load_idx %arg12[%iota3A, %broadcast_in_dim3A_849] : memref<16x17xf32, #tpu.memory_space<vmem>>[vector<16xi32>, vector<16xi32>], vector<16xf32>,
        %add3A_851 = arith.addf %add3A_847, %gather3A_850 : vector<16xf32>
        %broadcast_in_dim3A_852 = arith.constant 8 : i32
        %broadcast_in_dim3A_853 = vector.broadcast %broadcast_in_dim3A_852 : i32 to vector<16xi32>
        %gather3A_854 = tpu.vector_load_idx %arg12[%iota3A, %broadcast_in_dim3A_853] : memref<16x17xf32, #tpu.memory_space<vmem>>[vector<16xi32>, vector<16xi32>], vector<16xf32>,
        %add3A_855 = arith.addf %add3A_851, %gather3A_854 : vector<16xf32>
        %broadcast_in_dim3A_856 = arith.constant 9 : i32
        %broadcast_in_dim3A_857 = vector.broadcast %broadcast_in_dim3A_856 : i32 to vector<16xi32>
        %gather3A_858 = tpu.vector_load_idx %arg12[%iota3A, %broadcast_in_dim3A_857] : memref<16x17xf32, #tpu.memory_space<vmem>>[vector<16xi32>, vector<16xi32>], vector<16xf32>,
        %add3A_859 = arith.addf %add3A_855, %gather3A_858 : vector<16xf32>
        %broadcast_in_dim3A_860 = arith.constant 10 : i32
        %broadcast_in_dim3A_861 = vector.broadcast %broadcast_in_dim3A_860 : i32 to vector<16xi32>
        %gather3A_862 = tpu.vector_load_idx %arg12[%iota3A, %broadcast_in_dim3A_861] : memref<16x17xf32, #tpu.memory_space<vmem>>[vector<16xi32>, vector<16xi32>], vector<16xf32>,
        %add3A_863 = arith.addf %add3A_859, %gather3A_862 : vector<16xf32>
        %broadcast_in_dim3A_864 = arith.constant 11 : i32
        %broadcast_in_dim3A_865 = vector.broadcast %broadcast_in_dim3A_864 : i32 to vector<16xi32>
        %gather3A_866 = tpu.vector_load_idx %arg12[%iota3A, %broadcast_in_dim3A_865] : memref<16x17xf32, #tpu.memory_space<vmem>>[vector<16xi32>, vector<16xi32>], vector<16xf32>,
        %add3A_867 = arith.addf %add3A_863, %gather3A_866 : vector<16xf32>
        %broadcast_in_dim3A_868 = arith.constant 12 : i32
        %broadcast_in_dim3A_869 = vector.broadcast %broadcast_in_dim3A_868 : i32 to vector<16xi32>
        %gather3A_870 = tpu.vector_load_idx %arg12[%iota3A, %broadcast_in_dim3A_869] : memref<16x17xf32, #tpu.memory_space<vmem>>[vector<16xi32>, vector<16xi32>], vector<16xf32>,
        %add3A_871 = arith.addf %add3A_867, %gather3A_870 : vector<16xf32>
        %broadcast_in_dim3A_872 = arith.constant 13 : i32
        %broadcast_in_dim3A_873 = vector.broadcast %broadcast_in_dim3A_872 : i32 to vector<16xi32>
        %gather3A_874 = tpu.vector_load_idx %arg12[%iota3A, %broadcast_in_dim3A_873] : memref<16x17xf32, #tpu.memory_space<vmem>>[vector<16xi32>, vector<16xi32>], vector<16xf32>,
        %add3A_875 = arith.addf %add3A_871, %gather3A_874 : vector<16xf32>
        %broadcast_in_dim3A_876 = arith.constant 14 : i32
        %broadcast_in_dim3A_877 = vector.broadcast %broadcast_in_dim3A_876 : i32 to vector<16xi32>
        %gather3A_878 = tpu.vector_load_idx %arg12[%iota3A, %broadcast_in_dim3A_877] : memref<16x17xf32, #tpu.memory_space<vmem>>[vector<16xi32>, vector<16xi32>], vector<16xf32>,
        %add3A_879 = arith.addf %add3A_875, %gather3A_878 : vector<16xf32>
        %broadcast_in_dim3A_880 = arith.constant 15 : i32
        %broadcast_in_dim3A_881 = vector.broadcast %broadcast_in_dim3A_880 : i32 to vector<16xi32>
        %gather3A_882 = tpu.vector_load_idx %arg12[%iota3A, %broadcast_in_dim3A_881] : memref<16x17xf32, #tpu.memory_space<vmem>>[vector<16xi32>, vector<16xi32>], vector<16xf32>,
        %add3A_883 = arith.addf %add3A_879, %gather3A_882 : vector<16xf32>
        %add3A_884 = arith.constant 16 : i32
        %add3A_885 = arith.addi %mul3A_187, %add3A_884 : i32
        %broadcast_in_dim3A_886 = vector.broadcast %add3A_885 : i32 to vector<16xi32>
        %add3A_887 = arith.addi %broadcast_in_dim3A_886, %iota3A : vector<16xi32>
        %lt3A_888 = arith.constant 5 : i32
        %lt3A_889 = vector.broadcast %lt3A_888 : i32 to vector<16xi32>
        %lt3A_890 = arith.cmpi slt, %iota3A, %lt3A_889 : vector<16xi32>
        tpu.vector_store_idx %arg11[%add3A_887], %add3A_883 masked %lt3A_890 : memref<672xf32, #tpu.memory_space<vmem>>[vector<16xi32>], vector<16xf32>, vector<16xi1>
      }
      %scan3A_162 = arith.constant 32 : i32
      %mul3A_163 = arith.constant 512 : i32
      %mul3A_164 = arith.muli %add3A, %mul3A_163 : i32
      %mul3A_165 = arith.constant 21 : i32
      %mul3A_166 = arith.muli %mul3A_164, %mul3A_165 : i32
      %mul3A_167 = arith.constant 672 : i32
      %mul3A_168 = arith.muli %add3A_15, %mul3A_167 : i32
      %add3A_169 = arith.addi %mul3A_166, %mul3A_168 : i32
      "tpu.region"() ({
        %run_scoped3A = tpu.sem_alloc : memref<!tpu.dma_semaphore, #tpu.memory_space<semaphore_mem>>
        %dma_start3A_170 = tpu.memref_slice %arg6[%add3A_169] : memref<344064xf32, #tpu.memory_space<hbm>> -> memref<672xf32, #tpu.memory_space<hbm>>
        %dma_start3A_171 = tpu.memref_slice %arg6[%add3A_169] : memref<344064xf32, #tpu.memory_space<hbm>> -> memref<672xf32, #tpu.memory_space<hbm>>
        tpu.enqueue_dma source(%arg11 : memref<672xf32, #tpu.memory_space<vmem>>) target(%dma_start3A_171 : memref<672xf32, #tpu.memory_space<hbm>>) target_semaphore(%run_scoped3A : memref<!tpu.dma_semaphore, #tpu.memory_space<semaphore_mem>>)
        %dma_wait3A_172 = tpu.memref_slice %arg6[%add3A_169] : memref<344064xf32, #tpu.memory_space<hbm>> -> memref<672xf32, #tpu.memory_space<hbm>>
        %dma_wait3A_173 = tpu.memref_slice %arg6[%add3A_169] : memref<344064xf32, #tpu.memory_space<hbm>> -> memref<672xf32, #tpu.memory_space<hbm>>
        tpu.wait_dma2 semaphore(%run_scoped3A : memref<!tpu.dma_semaphore, #tpu.memory_space<semaphore_mem>>) src(%arg11 : memref<672xf32, #tpu.memory_space<vmem>>) dst(%dma_wait3A_173 : memref<672xf32, #tpu.memory_space<hbm>>)
        tpu.yield
      }) : () -> ()
    }
    %scan3A_10 = arith.constant 16 : i32
    return
  }
}

</mosaic_0001>

<sc_bundles>
// kernel: _run.3.cloned.1.call-start
scs
__scs_entry_jumppad:
0x0: {  	(pc) =	sbr.rel $0x88, $3  }
0x1: {  	(tag) =	ssettag $0x0;
	lr =	simm.s32 $0x1  }
0x2: {  	[smem:$0x3F9D] =	sst lr;
	_ =	strace $0xD0000000  }
0x3: {  	_ = 	snop  }
0x4: {  	_ = 	snop  }
0x5: {  	_ = 	snop  }
0x6: {  	_ = 	snop  }
0x7: {  	_ = 	snop  }
__scs_overlays_trampoline_lowered:
0x8: {  	[smem:$0x3FAC] =	sst s0  }
0x9: {  	[smem:$0x3FAD] =	sst s1  }
0xa: {  	[smem:$0x3FAE] =	sst s2  }
0xb: {  	[smem:$0x3FAF] =	sst s3  }
0xc: {  	[smem:$0x3FB0] =	sst s4  }
0xd: {  	[smem:$0x3FB1] =	sst s5  }
0xe: {  	[smem:$0x3FB2] =	sst s6  }
0xf: {  	[smem:$0x3FB3] =	sst s7  }
0x10: {  	[smem:$0x3FB4] =	sst s8  }
0x11: {  	[smem:$0x3FB5] =	sst s9;
	s0 =	simm.s32 @!p0 $0x0  }
0x12: {  	s1 =	sld [smem:$0x3F9B];
	s0 =	simm.s32 @p0 $0x1  }
0x13: {  	[smem:$0x3FB6] =	sst s0;
	s0 =	simm.s32 @!p1 $0x0  }
0x14: {  	s2 =	sld [smem:$0x3F9A];
	s0 =	simm.s32 @p1 $0x1  }
0x15: {  	[smem:$0x3FB7] =	sst s0;
	s0 =	simm.s32 @!p2 $0x0  }
0x16: {  	s3 =	sld [smem:$0x3FDB];
	s0 =	simm.s32 @p2 $0x1  }
0x17: {  	s4 =	simm.s32 $0x1BF5;
	[smem:$0x3FB9] =	sst s0  }
0x18: {  	s0 =	sld [smem:$0x3F9C];
	_ =	swait.ge [sflag:s4], $0x0  }
0x19: {  	s7 =	sld [smem:$0x3F9D]  }
0x1a: {  	s8 =	sadd.s32 $0xFFFFE003, lr  }
0x1b: {  	s9 =	sadd.s32 $0xFFFFFEF7, lr;
	s5 =	simm.s32 $0xFFFFFFFF;
	p2 =	slt.u32 s8, $0xFFFFF086  }
0x1c: {  	p1 =	slt.u32 s9, $0xF7A;
	s5 =	simm.s32 @!p2 $0x0  }
0x1d: {  	s5 =	simm.s32 @p1 $0x1;
	p0 =	seq.s32 s7, s2  }
0x1e: {  	s7 =	smul.u32 @!p0 $0xF7A, s2;
	p2 =	seq.s32 @!p0 s5, $0x0  }
0x1f: {  	s9 =	smul.u32 $0xF7A, s1;
	s8 =	simm.s32 @!p0 $0x1BF5;
	p2 =	por !p2, p0  }
0x20: {  	[sflag:s8] =	ssyncset.s32 @!p0 $0xFFFFF086;
	s6 =	sadd.s32 @!p0 s3, s7;
	s7 =	simm.s32 @!p0 $0x108  }
0x21: {  	s3 =	sadd.s32 s3, s9;
	s6 =	sadd.s32 @!p0 $0x88, s6;
	s7 =	simm.s32 @p2 $0x1082  }
0x22: {  	[simem:s7], [sflag:s8] =	dma.local @!p0 [hbm:s6], $0xF7A  }
0x23: {  	s9 =	sor.u32 $0xD0000000, s2;
	s6 =	simm.s32 $0x108;
	_ =	swait.ge @!p0 [sflag:s8], $0x0  }
0x24: {  	s3 =	sadd.s32 $0x88, s3;
	s6 =	simm.s32 @!p1 $0x1082;
	[sflag:s4] =	ssyncset.s32 $0xFFFFF086  }
0x25: {  	[simem:s6], [sflag:s4] =	dma.local [hbm:s3], $0xF7A  }
0x26: {  	[smem:$0x3F9D] =	sst s1;
	(tag) =	ssettag s2;
	_ =	strace s9  }
0x27: {  	s1 =	sld [smem:$0x3FAD]  }
0x28: {  	s2 =	sld [smem:$0x3FAE]  }
0x29: {  	s4 =	sld [smem:$0x3FB0]  }
0x2a: {  	p0 =	seq.s32 s5, $0x0;
	s5 =	sld [smem:$0x3FB1]  }
0x2b: {  	s6 =	sld [smem:$0x3FB2]  }
0x2c: {  	s7 =	sld [smem:$0x3FB3]  }
0x2d: {  	s3 =	simm.s32 $0x108;
	s8 =	sld [smem:$0x3FB4]  }
0x2e: {  	s3 =	simm.s32 @!p0 $0x1082;
	s9 =	sld [smem:$0x3FB5]  }
0x2f: {  	lr =	sadd.s32 s0, s3;
	s0 =	sld [smem:$0x3FAC]  }
0x30: {  	s3 =	sld [smem:$0x3FAF]  }
0x31: {  	[smem:$0x3FB8] =	sst s10  }
0x32: {  	s10 =	sld [smem:$0x3FB6];
	_ =	sdelay $0x3  }
0x33: {  	p0 =	seq.s32 s10, $0x1;
	s10 =	sld [smem:$0x3FB8];
	_ =	sdelay $0x3  }
0x34: {  	[smem:$0x3FB8] =	sst s10  }
0x35: {  	s10 =	sld [smem:$0x3FB7];
	_ =	sdelay $0x3  }
0x36: {  	p1 =	seq.s32 s10, $0x1;
	s10 =	sld [smem:$0x3FB8];
	_ =	sdelay $0x3  }
0x37: {  	[smem:$0x3FB8] =	sst s10  }
0x38: {  	s10 =	sld [smem:$0x3FB9]  }
0x39: {  	_ = 	snop;
	(pc) =	sbr.ind lr, $3  }
0x3a: {  	_ = 	snop  }
0x3b: {  	_ = 	snop  }
0x3c: {  	p2 =	seq.s32 s10, $0x1;
	s10 =	sld [smem:$0x3FB8]  }
0x3d: {  	_ =	shalt  }
0x3e: {  	_ =	shalt  }
0x3f: {  	_ =	shalt  }
0x40: {  	_ =	shalt  }
0x41: {  	_ =	shalt  }
0x42: {  	_ =	shalt  }
0x43: {  	_ =	shalt  }
0x44: {  	_ =	shalt  }
0x45: {  	_ =	shalt  }
0x46: {  	_ =	shalt  }
0x47: {  	_ =	shalt  }
0x48: {  	_ =	shalt  }
0x49: {  	_ =	shalt  }
0x4a: {  	_ =	shalt  }
0x4b: {  	_ =	shalt  }
0x4c: {  	_ =	shalt  }
0x4d: {  	_ =	shalt  }
0x4e: {  	_ =	shalt  }
0x4f: {  	_ =	shalt  }
0x50: {  	_ =	shalt  }
0x51: {  	_ =	shalt  }
0x52: {  	_ =	shalt  }
0x53: {  	_ =	shalt  }
0x54: {  	_ =	shalt  }
0x55: {  	_ =	shalt  }
0x56: {  	_ =	shalt  }
0x57: {  	_ =	shalt  }
0x58: {  	_ =	shalt  }
0x59: {  	_ =	shalt  }
0x5a: {  	_ =	shalt  }
0x5b: {  	_ =	shalt  }
0x5c: {  	_ =	shalt  }
0x5d: {  	_ =	shalt  }
0x5e: {  	_ =	shalt  }
0x5f: {  	_ =	shalt  }
0x60: {  	_ =	shalt  }
0x61: {  	_ =	shalt  }
0x62: {  	_ =	shalt  }
0x63: {  	_ =	shalt  }
0x64: {  	_ =	shalt  }
0x65: {  	_ =	shalt  }
0x66: {  	_ =	shalt  }
0x67: {  	_ =	shalt  }
0x68: {  	_ =	shalt  }
0x69: {  	_ =	shalt  }
0x6a: {  	_ =	shalt  }
0x6b: {  	_ =	shalt  }
0x6c: {  	_ =	shalt  }
0x6d: {  	_ =	shalt  }
0x6e: {  	_ =	shalt  }
0x6f: {  	_ =	shalt  }
0x70: {  	_ =	shalt  }
0x71: {  	_ =	shalt  }
0x72: {  	_ =	shalt  }
0x73: {  	_ =	shalt  }
0x74: {  	_ =	shalt  }
0x75: {  	_ =	shalt  }
0x76: {  	_ =	shalt  }
0x77: {  	_ =	shalt  }
0x78: {  	_ =	shalt  }
0x79: {  	_ =	shalt  }
0x7a: {  	_ =	shalt  }
0x7b: {  	_ =	shalt  }
0x7c: {  	_ =	shalt  }
0x7d: {  	_ =	shalt  }
0x7e: {  	_ =	shalt  }
0x7f: {  	_ =	shalt  }
0x80: {  	_ =	shalt  }
0x81: {  	_ =	shalt  }
0x82: {  	_ =	shalt  }
0x83: {  	_ =	shalt  }
0x84: {  	_ =	shalt  }
0x85: {  	_ =	shalt  }
0x86: {  	_ =	shalt  }
0x87: {  	_ =	shalt  }
.Lfunc_end0:
.L_simem_size_0:
called_computation_lowered:
.L_overlay_start_0:
0x88: {  	s2 =	sld [smem:$0x3FD9]  }
0x89: {  	s3 =	sld [smem:$0x3FFE];
	_ =	sdelay $0x1  }
0x8a: {  	s1 =	srdreg.scid  }
0x8b: {  	s0 =	sand.u32 $0x1, s1  }
0x8c: {  	s17 =	sshll.u32 s0, $0xA;
	s2 =	sadd.s32 s3, s2  }
0x8d: {  	s2 =	sadd.s32 s2, s17  }
0x8e: {  	[smem:$0x3FC4] =	sst s2  }
0x8f: {  	_ = 	snop  }
0x90: {  	s2 =	sld [smem:$0x3FD0];
	(tm) =	ssettm $0x1  }
0x91: {  	s18 =	sld [smem:$0x3FFB];
	_ =	sdelay $0x3  }
0x92: {  	_ =	strace s18  }
0x93: {  	s3 =	sld [smem:$0x3FFC];
	_ =	sdelay $0x3  }
0x94: {  	_ =	strace s3  }
0x95: {  	s3 =	sld [smem:$0x3FFD];
	_ =	sdelay $0x3  }
0x96: {  	_ =	strace s3  }
0x97: {  	_ =	strace $0x8FFFFFFF  }
0x98: {  	s19 =	sld [smem:$0x3FDB];
	_ =	sdelay $0x1  }
0x99: {  	s4 =	simm.s32 $_scs_section_size  }
0x9a: {  	s5 =	simm.s32 $_size__tile_overlayer_lowered;
	s6 =	simm.s32 $_tile_overlayer_lowered  }
0x9b: {  	s22 =	simm.s32 $0x1BFF;
	s21 =	sshll.u32 s6, $0x1;
	s3 =	sadd.s32 s4, s19  }
0x9c: {  	s7 =	simm.s32 $0x0;
	s20 =	sshll.u32 s5, $0x1;
	s5 =	sadd.s32 s21, s3  }
0x9d: {  	[timem:s7], [sflag:s22] =	dma.local [hbm:s5], s20  }
0x9e: {  	_ =	swait.ge [sflag:s22], s20  }
0x9f: {  	s4 =	ssub.s32 $0x0, s20;
	[sflag:s22] =	ssyncset.done $0x0  }
0xa0: {  	[sflag:s22] =	ssyncadd.s32 s4;
	_ =	sdelay $0x1  }
0xa1: {  	s23 =	simm.s32 $0x1B8B  }
0xa2: {  	_ =	swait.ge [sflag:s23], $0x1  }
0xa3: {  	[sflag:s23] =	ssyncset.done $0x0  }
0xa4: {  	s25 =	simm.s32 $0x1B8E;
	s24 =	sld [smem:$0x3FFE];
	[sflag:s23] =	ssyncadd.s32 $0xFFFFFFFF  }
0xa5: {  	s26 =	simm.s32 $execute0_lowered;
	[smem:$0x3FD2] =	sst s25  }
0xa6: {  	s5 =	sshll.u32 s26, $0x1;
	_ =	strace $0x80000046;
	[dreg:$0x1] =	wrdreg $0xFFFFFFFF  }
0xa7: {  	s28 =	simm.s32 $_size_execute0_lowered;
	s3 =	sadd.s32 s3, s5;
	[dreg:$0x0] =	wrdreg $0x0  }
0xa8: {  	s5 =	sshll.u32 s28, $0x1;
	[dreg:$0x2] =	wrdreg s3  }
0xa9: {  	[dreg:$0x3] =	wrdreg s5  }
0xaa: {  	[dreg:$0x4] =	wrdreg $0xC0  }
0xab: {  	_ =	task [dreg:s7], $0x5FFFF  }
0xac: {  	[dreg:$0x1] =	wrdreg $0xFFFFFFFF  }
0xad: {  	[dreg:$0x0] =	wrdreg $0x60  }
0xae: {  	[dreg:$0x2] =	wrdreg s24  }
0xaf: {  	[dreg:$0x3] =	wrdreg s2  }
0xb0: {  	[dreg:$0x4] =	wrdreg $0x9  }
0xb1: {  	_ =	task.clear_ibuf [dreg:s7], $0x5FFFF;
	_ =	strace $0x90000046  }
0xb2: {  	s29 =	simm.s32 $0x9;
	_ =	strace $0x80000048  }
0xb3: {  	_ =	swait.ge [sflag:s29], $0x1  }
0xb4: {  	[sflag:s29] =	ssyncadd.s32 $0xFFFFFFFF  }
0xb5: {  	_ =	strace $0x90000048  }
0xb6: {  	_ =	sfence  }
0xb7: {  	s30 =	sld [smem:$0x0];
	_ =	sdelay $0x2  }
0xb8: {  	s31 =	sshll.u32 s1, $0xD;
	s1 =	sshrl.u32 s1, $0x2  }
0xb9: {  	s3 =	sand.u32 $0x4000, s31;
	s1 =	sadd.s32 s1, s30  }
0xba: {  	s0 =	sor.u32 s3, s0;
	s1 =	sshll.u32 s1, $0x11  }
0xbb: {  	s0 =	sor.u32 s1, s0  }
0xbc: {  	s0 =	sadd.s32 $0x8F2B, s0  }
0xbd: {  	[sflag:s0] =	ssyncadd.remote.s32 $0x1  }
0xbe: {  	_ =	sfence.sel $0xFFFF  }
0xbf: {  	[dreg:$0x0] =	wrdreg $0xFFFFFFFF;
	(pc) =	sbr.abs _section_cstart, $3  }
0xc0: {  	[dreg:$0x1] =	wrdreg $0xFFFFFFFF  }
0xc1: {  	_ =	task.clear_ibuf [dreg:s7], $0x2FFFF;
	_ =	strace $0x9FFFFFFF  }
0xc2: {  	(tm) =	ssettm $0x7FFFFFFF  }
0xc3: {  	_ =	shalt  }
tec
execute0_lowered:
.L_overlay_start_1:
0x0: {  	(tag) =	ssettag $0x1  }
0x1: {  	s5 =	rddreg [dreg:$0x0]  }
0x2: {  	s1 =	srdreg.scid;
	s0 =	stileid.u32  }
0x3: {  	s2 =	rddreg [dreg:$0x1];
	s3 =	simm.s32 $0x0;
	s11 =	simm.s32 $0x200  }
0x4: {  	s12 =	simm.s32 $0x20;
	s13 =	simm.s32 $0x2C00;
	s14 =	simm.s32 $0x1  }
0x5: {  	s15 =	simm.s32 $0x70;
	s16 =	simm.s32 $0x3400;
	s17 =	simm.s32 $0x5000  }
0x6: {  	s18 =	simm.s32 $0x6C00;
	s19 =	simm.s32 $0x8800;
	s20 =	simm.s32 $0xA400  }
0x7: {  	v0 =	vlaneseq.u32;
	s21 =	simm.s32 $0xC000;
	s22 =	simm.s32 $0xDEA0;
	s23 =	simm.s32 $0xDC00  }
0x8: {  	s4 =	sand.u32 $0x1, s1;
	s6 =	sshll.u32 s0, $0x1;
	s1 =	rddreg [dreg:$0x2];
	v1 =	vmul.u32 $0x18, v0  }
0x9: {  	s24 =	simm.s32 $0x0;
	[smem:$0x7FF] =	sst s3;
	s8 =	sor.u32 s4, s6  }
0xa: {  	_ =	strace $0x80000047;
	s9 =	ssub.s32 $0x2, s4;
	s4 =	sadd.s32 $0x16E3E00, s5;
	v2 =	vor.u32 $0x1, v1;
	v3 =	vor.u32 $0x2, v1;
	v4 =	vor.u32 $0x3, v1  }
0xb: {  	s6 =	sshll.u32 s8, $0x6;
	s7 =	smul.u32 $0x540, s8;
	s10 =	sshrl.u32 s9, $0x1;
	v5 =	vor.u32 $0x4, v1;
	v6 =	vor.u32 $0x5, v1;
	v7 =	vor.u32 $0x6, v1  }
0xc: {  	s8 =	smul.u32 $0x2A00, s8;
	v8 =	vor.u32 $0x7, v1;
	v9 =	vadd.s32 $0x8, v1;
	v10 =	vadd.s32 $0x9, v1;
	s6 =	sadd.s32 s6, s5;
	s9 =	ssub.s32 s9, s10  }
0xd: {  	v11 =	vadd.s32 $0xA, v1;
	v12 =	vadd.s32 $0xB, v1;
	v13 =	vadd.s32 $0xC, v1;
	s10 =	simm.s32 $0x2;
	s7 =	sadd.s32 s7, s5;
	s5 =	sadd.s32 $0xF42C00, s5  }
0xe: {  	v14 =	vadd.s32 $0xD, v1;
	v15 =	vadd.s32 $0xE, v1;
	v16 =	vadd.s32 $0xF, v1;
	s6 =	sadd.s32 $0xB000, s6;
	s9 =	smax.u32 s9, $0x1;
	s7 =	sadd.s32 $0x800, s7  }
.LBB2_1:
0xf: {  	[tilespmem:s3], [sflag:$0x2] =	stream.linear.gather [hbm4b:s6+s3], $0x200, $0x38;
	[tilespmem:$0xE020] =	vst v63  }
0x10: {  	_ =	swait.ge [sflag:s10], $0x200  }
0x11: {  	[sflag:s10] =	ssyncset.done $0x0  }
0x12: {  	[sflag:s10] =	ssyncadd.s32 $0xFFFFFE00  }
0x13: {  	[tilespmem:s11], [sflag:$0x2] =	stream.linear.gather [hbm4b:s7+s3], $0x2A00, $0x38;
	[tilespmem:$0xE020] =	vst v63  }
0x14: {  	_ =	swait.ge [sflag:s10], $0x2A00  }
0x15: {  	[sflag:s10] =	ssyncset.done $0x0  }
0x16: {  	s25 =	simm.s32 $0x0;
	[sflag:s10] =	ssyncadd.s32 $0xFFFFD600  }
.LBB2_2:
0x17: {  	s26 =	sshll.u32 s25, $0x5  }
0x18: {  	s31 =	smul.u32 $0xA80, s25;
	s26 =	sand.u32 $0x3FFFFFE0, s26  }
0x19: {  	[tilespmem:s13], [sflag:$0x1] =	stream.indirect.gather [hbm4b:s4+s12], $0x40, s26, s12, $0xb8;
	[tilespmem:$0xE020] =	vst v63  }
0x1a: {  	_ =	swait.ge [sflag:s14], $0x800  }
0x1b: {  	s26 =	sshra.s32 s31, $0x2;
	[sflag:s14] =	ssyncset.done $0x0  }
0x1c: {  	s28 =	sadd.s32 $0x200, s26;
	[sflag:s14] =	ssyncadd.s32 $0xFFFFF800  }
0x1d: {  	[tilespmem:s16], [sflag:$0x1] =	stream.indirect.gather [hbm4b:s5+s15], $0x40, s28, s15, $0xb8;
	[tilespmem:$0xE020] =	vst v63  }
0x1e: {  	_ =	swait.ge [sflag:s14], $0x1C00  }
0x1f: {  	[sflag:s14] =	ssyncset.done $0x0  }
0x20: {  	s28 =	sadd.s32 $0x270, s26;
	[sflag:s14] =	ssyncadd.s32 $0xFFFFE400  }
0x21: {  	[tilespmem:s17], [sflag:$0x1] =	stream.indirect.gather [hbm4b:s5+s15], $0x40, s28, s15, $0xb8;
	[tilespmem:$0xE020] =	vst v63  }
0x22: {  	_ =	swait.ge [sflag:s14], $0x1C00  }
0x23: {  	[sflag:s14] =	ssyncset.done $0x0  }
0x24: {  	s28 =	sadd.s32 $0x2E0, s26;
	[sflag:s14] =	ssyncadd.s32 $0xFFFFE400  }
0x25: {  	[tilespmem:s18], [sflag:$0x1] =	stream.indirect.gather [hbm4b:s5+s15], $0x40, s28, s15, $0xb8;
	[tilespmem:$0xE020] =	vst v63  }
0x26: {  	_ =	swait.ge [sflag:s14], $0x1C00  }
0x27: {  	[sflag:s14] =	ssyncset.done $0x0  }
0x28: {  	s28 =	sadd.s32 $0x350, s26;
	[sflag:s14] =	ssyncadd.s32 $0xFFFFE400  }
0x29: {  	[tilespmem:s19], [sflag:$0x1] =	stream.indirect.gather [hbm4b:s5+s15], $0x40, s28, s15, $0xb8;
	[tilespmem:$0xE020] =	vst v63  }
0x2a: {  	_ =	swait.ge [sflag:s14], $0x1C00  }
0x2b: {  	[sflag:s14] =	ssyncset.done $0x0  }
0x2c: {  	s28 =	sadd.s32 $0x3C0, s26;
	[sflag:s14] =	ssyncadd.s32 $0xFFFFE400  }
0x2d: {  	[tilespmem:s20], [sflag:$0x1] =	stream.indirect.gather [hbm4b:s5+s15], $0x40, s28, s15, $0xb8;
	[tilespmem:$0xE020] =	vst v63  }
0x2e: {  	_ =	swait.ge [sflag:s14], $0x1C00  }
0x2f: {  	[sflag:s14] =	ssyncset.done $0x0  }
0x30: {  	s26 =	sadd.s32 $0x430, s26;
	[sflag:s14] =	ssyncadd.s32 $0xFFFFE400  }
0x31: {  	[tilespmem:s21], [sflag:$0x1] =	stream.indirect.gather [hbm4b:s5+s15], $0x40, s26, s15, $0xb8;
	[tilespmem:$0xE020] =	vst v63  }
0x32: {  	_ =	swait.ge [sflag:s14], $0x1C00  }
0x33: {  	s29 =	simm.s32 $0x2C20;
	[sflag:s14] =	ssyncset.done $0x0  }
0x34: {  	s28 =	simm.s32 $0x36A0;
	s26 =	simm.s32 $0x10;
	[sflag:s14] =	ssyncadd.s32 $0xFFFFE400  }
.LBB2_3:
0x35: {  	v17 =	vld [tilespmem:s29+$0xFFFFFFE0]  }
0x36: {  	v18 =	vld [tilespmem:s29+$0xFFFFFFF0]  }
0x37: {  	v21 =	vld [tilespmem:s28+$0xFFFFFD60]  }
0x38: {  	v22 =	vld [tilespmem:s28+$0xFFFFFD70]  }
0x39: {  	v19 =	vld [tilespmem:s29+$0x0]  }
0x3a: {  	v23 =	vld [tilespmem:s28+$0xFFFFFD80]  }
0x3b: {  	v20 =	vld [tilespmem:s29+$0x10]  }
0x3c: {  	v24 =	vld [tilespmem:s28+$0xFFFFFD90]  }
0x3d: {  	v21 =	vmul.f32 v21, v17;
	v22 =	vmul.f32 v22, v18;
	_ =	sdelay $0x1  }
0x3e: {  	v54 =	vmul.f32 v23, v19;
	v21 =	vadd.f32 v22, v21;
	_ =	sdelay $0x1  }
0x3f: {  	v55 =	vmul.f32 v24, v20;
	v21 =	vadd.f32 v54, v21;
	_ =	sdelay $0x1  }
0x40: {  	v21 =	vadd.f32 v55, v21;
	_ =	sdelay $0x1  }
0x41: {  	[tilespmem:$0xDEA0] =	vst v21  }
0x42: {  	v21 =	vld [tilespmem:s28+$0xFFFFFDA0]  }
0x43: {  	v56 =	vld [tilespmem:s28+$0xFFFFFDB0];
	_ =	sdelay $0x1  }
0x44: {  	v57 =	vld [tilespmem:s28+$0xFFFFFDC0];
	_ =	sdelay $0x1  }
0x45: {  	v58 =	vld [tilespmem:s28+$0xFFFFFDD0]  }
0x46: {  	v21 =	vmul.f32 v21, v17;
	v22 =	vmul.f32 v56, v18;
	_ =	sdelay $0x1  }
0x47: {  	v59 =	vmul.f32 v57, v19;
	v21 =	vadd.f32 v22, v21;
	_ =	sdelay $0x1  }
0x48: {  	v60 =	vmul.f32 v58, v20;
	v21 =	vadd.f32 v59, v21;
	_ =	sdelay $0x1  }
0x49: {  	v21 =	vadd.f32 v60, v21;
	_ =	sdelay $0x1  }
0x4a: {  	[tilespmem:$0xDEB8] =	vst v21  }
0x4b: {  	v21 =	vld [tilespmem:s28+$0xFFFFFDE0]  }
0x4c: {  	v61 =	vld [tilespmem:s28+$0xFFFFFDF0];
	_ =	sdelay $0x1  }
0x4d: {  	v62 =	vld [tilespmem:s28+$0xFFFFFE00];
	_ =	sdelay $0x1  }
0x4e: {  	v63 =	vld [tilespmem:s28+$0xFFFFFE10]  }
0x4f: {  	v21 =	vmul.f32 v21, v17;
	v22 =	vmul.f32 v61, v18;
	_ =	sdelay $0x1  }
0x50: {  	v26 =	vmul.f32 v62, v19;
	v21 =	vadd.f32 v22, v21;
	_ =	sdelay $0x1  }
0x51: {  	v27 =	vmul.f32 v63, v20;
	v21 =	vadd.f32 v26, v21;
	_ =	sdelay $0x1  }
0x52: {  	v21 =	vadd.f32 v27, v21;
	_ =	sdelay $0x1  }
0x53: {  	[tilespmem:$0xDED0] =	vst v21  }
0x54: {  	v21 =	vld [tilespmem:s28+$0xFFFFFE20]  }
0x55: {  	v28 =	vld [tilespmem:s28+$0xFFFFFE30];
	_ =	sdelay $0x1  }
0x56: {  	v29 =	vld [tilespmem:s28+$0xFFFFFE40];
	_ =	sdelay $0x1  }
0x57: {  	v30 =	vld [tilespmem:s28+$0xFFFFFE50]  }
0x58: {  	v21 =	vmul.f32 v21, v17;
	v22 =	vmul.f32 v28, v18;
	_ =	sdelay $0x1  }
0x59: {  	v31 =	vmul.f32 v29, v19;
	v21 =	vadd.f32 v22, v21;
	_ =	sdelay $0x1  }
0x5a: {  	v32 =	vmul.f32 v30, v20;
	v21 =	vadd.f32 v31, v21;
	_ =	sdelay $0x1  }
0x5b: {  	v21 =	vadd.f32 v32, v21;
	_ =	sdelay $0x1  }
0x5c: {  	[tilespmem:$0xDEE8] =	vst v21  }
0x5d: {  	v21 =	vld [tilespmem:s28+$0xFFFFFE60]  }
0x5e: {  	v33 =	vld [tilespmem:s28+$0xFFFFFE70];
	_ =	sdelay $0x1  }
0x5f: {  	v34 =	vld [tilespmem:s28+$0xFFFFFE80];
	_ =	sdelay $0x1  }
0x60: {  	v35 =	vld [tilespmem:s28+$0xFFFFFE90]  }
0x61: {  	v21 =	vmul.f32 v21, v17;
	v22 =	vmul.f32 v33, v18;
	_ =	sdelay $0x1  }
0x62: {  	v36 =	vmul.f32 v34, v19;
	v21 =	vadd.f32 v22, v21;
	_ =	sdelay $0x1  }
0x63: {  	v37 =	vmul.f32 v35, v20;
	v21 =	vadd.f32 v36, v21;
	_ =	sdelay $0x1  }
0x64: {  	v21 =	vadd.f32 v37, v21;
	_ =	sdelay $0x1  }
0x65: {  	[tilespmem:$0xDF00] =	vst v21  }
0x66: {  	v21 =	vld [tilespmem:s28+$0xFFFFFEA0]  }
0x67: {  	v38 =	vld [tilespmem:s28+$0xFFFFFEB0];
	_ =	sdelay $0x1  }
0x68: {  	v39 =	vld [tilespmem:s28+$0xFFFFFEC0];
	_ =	sdelay $0x1  }
0x69: {  	v40 =	vld [tilespmem:s28+$0xFFFFFED0]  }
0x6a: {  	v21 =	vmul.f32 v21, v17;
	v22 =	vmul.f32 v38, v18;
	_ =	sdelay $0x1  }
0x6b: {  	v41 =	vmul.f32 v39, v19;
	v21 =	vadd.f32 v22, v21;
	_ =	sdelay $0x1  }
0x6c: {  	v42 =	vmul.f32 v40, v20;
	v21 =	vadd.f32 v41, v21;
	_ =	sdelay $0x1  }
0x6d: {  	v21 =	vadd.f32 v42, v21;
	_ =	sdelay $0x1  }
0x6e: {  	[tilespmem:$0xDF18] =	vst v21  }
0x6f: {  	v21 =	vld [tilespmem:s28+$0xFFFFFEE0]  }
0x70: {  	v43 =	vld [tilespmem:s28+$0xFFFFFEF0];
	_ =	sdelay $0x1  }
0x71: {  	v44 =	vld [tilespmem:s28+$0xFFFFFF00];
	_ =	sdelay $0x1  }
0x72: {  	v45 =	vld [tilespmem:s28+$0xFFFFFF10]  }
0x73: {  	v21 =	vmul.f32 v21, v17;
	v22 =	vmul.f32 v43, v18;
	_ =	sdelay $0x1  }
0x74: {  	v46 =	vmul.f32 v44, v19;
	v21 =	vadd.f32 v22, v21;
	_ =	sdelay $0x1  }
0x75: {  	v47 =	vmul.f32 v45, v20;
	v21 =	vadd.f32 v46, v21;
	_ =	sdelay $0x1  }
0x76: {  	v21 =	vadd.f32 v47, v21;
	_ =	sdelay $0x1  }
0x77: {  	[tilespmem:$0xDF30] =	vst v21  }
0x78: {  	v21 =	vld [tilespmem:s28+$0xFFFFFF20]  }
0x79: {  	v48 =	vld [tilespmem:s28+$0xFFFFFF30];
	_ =	sdelay $0x1  }
0x7a: {  	v49 =	vld [tilespmem:s28+$0xFFFFFF40];
	_ =	sdelay $0x1  }
0x7b: {  	v50 =	vld [tilespmem:s28+$0xFFFFFF50]  }
0x7c: {  	v21 =	vmul.f32 v21, v17;
	v22 =	vmul.f32 v48, v18;
	_ =	sdelay $0x1  }
0x7d: {  	v51 =	vmul.f32 v49, v19;
	v21 =	vadd.f32 v22, v21;
	_ =	sdelay $0x1  }
0x7e: {  	v52 =	vmul.f32 v50, v20;
	v21 =	vadd.f32 v51, v21;
	_ =	sdelay $0x1  }
0x7f: {  	v21 =	vadd.f32 v52, v21;
	_ =	sdelay $0x1  }
0x80: {  	[tilespmem:$0xDF48] =	vst v21  }
0x81: {  	v21 =	vld [tilespmem:s28+$0xFFFFFF60]  }
0x82: {  	v53 =	vld [tilespmem:s28+$0xFFFFFF70];
	_ =	sdelay $0x1  }
0x83: {  	v54 =	vld [tilespmem:s28+$0xFFFFFF80];
	_ =	sdelay $0x1  }
0x84: {  	v55 =	vld [tilespmem:s28+$0xFFFFFF90]  }
0x85: {  	v21 =	vmul.f32 v21, v17;
	v22 =	vmul.f32 v53, v18;
	_ =	sdelay $0x1  }
0x86: {  	v56 =	vmul.f32 v54, v19;
	v21 =	vadd.f32 v22, v21;
	_ =	sdelay $0x1  }
0x87: {  	v57 =	vmul.f32 v55, v20;
	v21 =	vadd.f32 v56, v21;
	_ =	sdelay $0x1  }
0x88: {  	v21 =	vadd.f32 v57, v21;
	_ =	sdelay $0x1  }
0x89: {  	[tilespmem:$0xDF60] =	vst v21  }
0x8a: {  	v21 =	vld [tilespmem:s28+$0xFFFFFFA0]  }
0x8b: {  	v58 =	vld [tilespmem:s28+$0xFFFFFFB0];
	_ =	sdelay $0x1  }
0x8c: {  	v59 =	vld [tilespmem:s28+$0xFFFFFFC0];
	_ =	sdelay $0x1  }
0x8d: {  	v60 =	vld [tilespmem:s28+$0xFFFFFFD0]  }
0x8e: {  	v21 =	vmul.f32 v21, v17;
	v22 =	vmul.f32 v58, v18;
	_ =	sdelay $0x1  }
0x8f: {  	v61 =	vmul.f32 v59, v19;
	v21 =	vadd.f32 v22, v21;
	_ =	sdelay $0x1  }
0x90: {  	v62 =	vmul.f32 v60, v20;
	v21 =	vadd.f32 v61, v21;
	_ =	sdelay $0x1  }
0x91: {  	v21 =	vadd.f32 v62, v21;
	_ =	sdelay $0x1  }
0x92: {  	[tilespmem:$0xDF78] =	vst v21  }
0x93: {  	v21 =	vld [tilespmem:s28+$0xFFFFFFE0]  }
0x94: {  	v63 =	vld [tilespmem:s28+$0xFFFFFFF0];
	_ =	sdelay $0x1  }
0x95: {  	v28 =	vld [tilespmem:s28+$0x0];
	_ =	sdelay $0x1  }
0x96: {  	v29 =	vld [tilespmem:s28+$0x10]  }
0x97: {  	v21 =	vmul.f32 v21, v17;
	v22 =	vmul.f32 v63, v18;
	_ =	sdelay $0x1  }
0x98: {  	v30 =	vmul.f32 v28, v19;
	v21 =	vadd.f32 v22, v21;
	_ =	sdelay $0x1  }
0x99: {  	v31 =	vmul.f32 v29, v20;
	v21 =	vadd.f32 v30, v21;
	_ =	sdelay $0x1  }
0x9a: {  	v21 =	vadd.f32 v31, v21;
	_ =	sdelay $0x1  }
0x9b: {  	[tilespmem:$0xDF90] =	vst v21  }
0x9c: {  	v21 =	vld [tilespmem:s28+$0x20]  }
0x9d: {  	v32 =	vld [tilespmem:s28+$0x30];
	_ =	sdelay $0x1  }
0x9e: {  	v33 =	vld [tilespmem:s28+$0x40];
	_ =	sdelay $0x1  }
0x9f: {  	v34 =	vld [tilespmem:s28+$0x50]  }
0xa0: {  	v21 =	vmul.f32 v21, v17;
	v22 =	vmul.f32 v32, v18;
	_ =	sdelay $0x1  }
0xa1: {  	v35 =	vmul.f32 v33, v19;
	v21 =	vadd.f32 v22, v21;
	_ =	sdelay $0x1  }
0xa2: {  	v36 =	vmul.f32 v34, v20;
	v21 =	vadd.f32 v35, v21;
	_ =	sdelay $0x1  }
0xa3: {  	v21 =	vadd.f32 v36, v21;
	_ =	sdelay $0x1  }
0xa4: {  	[tilespmem:$0xDFA8] =	vst v21  }
0xa5: {  	v21 =	vld [tilespmem:s28+$0x60]  }
0xa6: {  	v37 =	vld [tilespmem:s28+$0x70];
	_ =	sdelay $0x1  }
0xa7: {  	v38 =	vld [tilespmem:s28+$0x80];
	_ =	sdelay $0x1  }
0xa8: {  	v39 =	vld [tilespmem:s28+$0x90]  }
0xa9: {  	v21 =	vmul.f32 v21, v17;
	v22 =	vmul.f32 v37, v18;
	_ =	sdelay $0x1  }
0xaa: {  	v40 =	vmul.f32 v38, v19;
	v21 =	vadd.f32 v22, v21;
	_ =	sdelay $0x1  }
0xab: {  	v41 =	vmul.f32 v39, v20;
	v21 =	vadd.f32 v40, v21;
	_ =	sdelay $0x1  }
0xac: {  	v21 =	vadd.f32 v41, v21;
	_ =	sdelay $0x1  }
0xad: {  	[tilespmem:$0xDFC0] =	vst v21  }
0xae: {  	v21 =	vld [tilespmem:s28+$0xA0]  }
0xaf: {  	v42 =	vld [tilespmem:s28+$0xB0];
	_ =	sdelay $0x1  }
0xb0: {  	v43 =	vld [tilespmem:s28+$0xC0];
	_ =	sdelay $0x1  }
0xb1: {  	v44 =	vld [tilespmem:s28+$0xD0]  }
0xb2: {  	v21 =	vmul.f32 v21, v17;
	v22 =	vmul.f32 v42, v18;
	_ =	sdelay $0x1  }
0xb3: {  	v45 =	vmul.f32 v43, v19;
	v21 =	vadd.f32 v22, v21;
	_ =	sdelay $0x1  }
0xb4: {  	v46 =	vmul.f32 v44, v20;
	v21 =	vadd.f32 v45, v21;
	_ =	sdelay $0x1  }
0xb5: {  	v21 =	vadd.f32 v46, v21;
	_ =	sdelay $0x1  }
0xb6: {  	[tilespmem:$0xDFD8] =	vst v21  }
0xb7: {  	v21 =	vld [tilespmem:s28+$0xE0]  }
0xb8: {  	v47 =	vld [tilespmem:s28+$0xF0];
	_ =	sdelay $0x1  }
0xb9: {  	v48 =	vld [tilespmem:s28+$0x100];
	_ =	sdelay $0x1  }
0xba: {  	v49 =	vld [tilespmem:s28+$0x110]  }
0xbb: {  	v21 =	vmul.f32 v21, v17;
	v22 =	vmul.f32 v47, v18;
	_ =	sdelay $0x1  }
0xbc: {  	v50 =	vmul.f32 v48, v19;
	v21 =	vadd.f32 v22, v21;
	_ =	sdelay $0x1  }
0xbd: {  	v51 =	vmul.f32 v49, v20;
	v21 =	vadd.f32 v50, v21;
	_ =	sdelay $0x1  }
0xbe: {  	v21 =	vadd.f32 v51, v21;
	_ =	sdelay $0x1  }
0xbf: {  	[tilespmem:$0xDFF0] =	vst v21  }
0xc0: {  	v21 =	vld [tilespmem:s28+$0x120]  }
0xc1: {  	v52 =	vld [tilespmem:s28+$0x130];
	_ =	sdelay $0x1  }
0xc2: {  	v53 =	vld [tilespmem:s28+$0x140];
	_ =	sdelay $0x1  }
0xc3: {  	v54 =	vld [tilespmem:s28+$0x150]  }
0xc4: {  	v21 =	vmul.f32 v21, v17;
	v22 =	vmul.f32 v52, v18;
	_ =	sdelay $0x1  }
0xc5: {  	v55 =	vmul.f32 v53, v19;
	v21 =	vadd.f32 v22, v21;
	_ =	sdelay $0x1  }
0xc6: {  	v56 =	vmul.f32 v54, v20;
	v21 =	vadd.f32 v55, v21;
	_ =	sdelay $0x1  }
0xc7: {  	v21 =	vadd.f32 v56, v21;
	_ =	sdelay $0x1  }
0xc8: {  	[tilespmem:$0xE008] =	vst v21  }
0xc9: {  	v21 =	vld.idx.msk [tilespmem:v1+s22+$0x0], $0xffff  }
0xca: {  	v57 =	vld.idx.msk [tilespmem:v2+s22+$0x0], $0xffff;
	_ =	sdelay $0x1  }
0xcb: {  	v58 =	vld.idx.msk [tilespmem:v3+s22+$0x0], $0xffff;
	_ =	sdelay $0x1  }
0xcc: {  	v59 =	vld.idx.msk [tilespmem:v4+s22+$0x0], $0xffff  }
0xcd: {  	v21 =	vadd.f32 v57, v21  }
0xce: {  	v60 =	vld.idx.msk [tilespmem:v5+s22+$0x0], $0xffff  }
0xcf: {  	v21 =	vadd.f32 v58, v21  }
0xd0: {  	v61 =	vld.idx.msk [tilespmem:v6+s22+$0x0], $0xffff  }
0xd1: {  	v21 =	vadd.f32 v59, v21  }
0xd2: {  	v62 =	vld.idx.msk [tilespmem:v7+s22+$0x0], $0xffff  }
0xd3: {  	v21 =	vadd.f32 v60, v21  }
0xd4: {  	v63 =	vld.idx.msk [tilespmem:v8+s22+$0x0], $0xffff  }
0xd5: {  	v21 =	vadd.f32 v61, v21  }
0xd6: {  	v28 =	vld.idx.msk [tilespmem:v9+s22+$0x0], $0xffff  }
0xd7: {  	v21 =	vadd.f32 v62, v21  }
0xd8: {  	v29 =	vld.idx.msk [tilespmem:v10+s22+$0x0], $0xffff  }
0xd9: {  	v21 =	vadd.f32 v63, v21  }
0xda: {  	v30 =	vld.idx.msk [tilespmem:v11+s22+$0x0], $0xffff  }
0xdb: {  	v21 =	vadd.f32 v28, v21  }
0xdc: {  	v31 =	vld.idx.msk [tilespmem:v12+s22+$0x0], $0xffff  }
0xdd: {  	v21 =	vadd.f32 v29, v21  }
0xde: {  	v32 =	vld.idx.msk [tilespmem:v13+s22+$0x0], $0xffff  }
0xdf: {  	v21 =	vadd.f32 v30, v21  }
0xe0: {  	v33 =	vld.idx.msk [tilespmem:v14+s22+$0x0], $0xffff  }
0xe1: {  	v21 =	vadd.f32 v31, v21  }
0xe2: {  	v34 =	vld.idx.msk [tilespmem:v15+s22+$0x0], $0xffff  }
0xe3: {  	v21 =	vadd.f32 v32, v21  }
0xe4: {  	v35 =	vld.idx.msk [tilespmem:v16+s22+$0x0], $0xffff  }
0xe5: {  	s30 =	sadd.s32 $0xFFFFFFF0, s26;
	v21 =	vadd.f32 v33, v21  }
0xe6: {  	v36 =	vadd.s32 s30, v0  }
0xe7: {  	v21 =	vadd.f32 v34, v21;
	_ =	sdelay $0x1  }
0xe8: {  	v21 =	vadd.f32 v35, v21;
	_ =	sdelay $0x1  }
0xe9: {  	[tilespmem:v36+s23+$0x0] =	vst.idx.msk $0xffff, v21  }
0xea: {  	v21 =	vld [tilespmem:s28+$0x160]  }
0xeb: {  	v22 =	vld [tilespmem:s28+$0x170];
	_ =	sdelay $0x1  }
0xec: {  	v37 =	vld [tilespmem:s28+$0x180];
	_ =	sdelay $0x1  }
0xed: {  	v38 =	vld [tilespmem:s28+$0x190]  }
0xee: {  	v21 =	vmul.f32 v21, v17;
	v22 =	vmul.f32 v22, v18;
	_ =	sdelay $0x1  }
0xef: {  	v39 =	vmul.f32 v37, v19;
	v21 =	vadd.f32 v22, v21;
	_ =	sdelay $0x1  }
0xf0: {  	v40 =	vmul.f32 v38, v20;
	v21 =	vadd.f32 v39, v21;
	_ =	sdelay $0x1  }
0xf1: {  	v21 =	vadd.f32 v40, v21;
	_ =	sdelay $0x1  }
0xf2: {  	[tilespmem:$0xDEA0] =	vst v21  }
0xf3: {  	v21 =	vld [tilespmem:s28+$0x1A0]  }
0xf4: {  	v41 =	vld [tilespmem:s28+$0x1B0];
	_ =	sdelay $0x1  }
0xf5: {  	v42 =	vld [tilespmem:s28+$0x1C0];
	_ =	sdelay $0x1  }
0xf6: {  	v43 =	vld [tilespmem:s28+$0x1D0]  }
0xf7: {  	v21 =	vmul.f32 v21, v17;
	v22 =	vmul.f32 v41, v18;
	_ =	sdelay $0x1  }
0xf8: {  	v44 =	vmul.f32 v42, v19;
	v21 =	vadd.f32 v22, v21;
	_ =	sdelay $0x1  }
0xf9: {  	v45 =	vmul.f32 v43, v20;
	v21 =	vadd.f32 v44, v21;
	_ =	sdelay $0x1  }
0xfa: {  	v21 =	vadd.f32 v45, v21;
	_ =	sdelay $0x1  }
0xfb: {  	[tilespmem:$0xDEB8] =	vst v21  }
0xfc: {  	v21 =	vld [tilespmem:s28+$0x1E0]  }
0xfd: {  	v46 =	vld [tilespmem:s28+$0x1F0];
	_ =	sdelay $0x1  }
0xfe: {  	v47 =	vld [tilespmem:s28+$0x200];
	_ =	sdelay $0x1  }
0xff: {  	v48 =	vld [tilespmem:s28+$0x210]  }
0x100: {  	v21 =	vmul.f32 v21, v17;
	v22 =	vmul.f32 v46, v18;
	_ =	sdelay $0x1  }
0x101: {  	v49 =	vmul.f32 v47, v19;
	v21 =	vadd.f32 v22, v21;
	_ =	sdelay $0x1  }
0x102: {  	v50 =	vmul.f32 v48, v20;
	v21 =	vadd.f32 v49, v21;
	_ =	sdelay $0x1  }
0x103: {  	v21 =	vadd.f32 v50, v21;
	_ =	sdelay $0x1  }
0x104: {  	[tilespmem:$0xDED0] =	vst v21  }
0x105: {  	v21 =	vld [tilespmem:s28+$0x220]  }
0x106: {  	v51 =	vld [tilespmem:s28+$0x230];
	_ =	sdelay $0x1  }
0x107: {  	v52 =	vld [tilespmem:s28+$0x240];
	_ =	sdelay $0x1  }
0x108: {  	v53 =	vld [tilespmem:s28+$0x250]  }
0x109: {  	v21 =	vmul.f32 v21, v17;
	v22 =	vmul.f32 v51, v18;
	_ =	sdelay $0x1  }
0x10a: {  	v54 =	vmul.f32 v52, v19;
	v21 =	vadd.f32 v22, v21;
	_ =	sdelay $0x1  }
0x10b: {  	v55 =	vmul.f32 v53, v20;
	v21 =	vadd.f32 v54, v21;
	_ =	sdelay $0x1  }
0x10c: {  	v21 =	vadd.f32 v55, v21;
	_ =	sdelay $0x1  }
0x10d: {  	[tilespmem:$0xDEE8] =	vst v21  }
0x10e: {  	v21 =	vld [tilespmem:s28+$0x260]  }
0x10f: {  	v56 =	vld [tilespmem:s28+$0x270];
	_ =	sdelay $0x1  }
0x110: {  	v57 =	vld [tilespmem:s28+$0x280];
	_ =	sdelay $0x1  }
0x111: {  	v58 =	vld [tilespmem:s28+$0x290]  }
0x112: {  	v17 =	vmul.f32 v21, v17;
	v18 =	vmul.f32 v56, v18;
	_ =	sdelay $0x1  }
0x113: {  	v17 =	vadd.f32 v18, v17;
	v18 =	vmul.f32 v57, v19;
	_ =	sdelay $0x1  }
0x114: {  	v17 =	vadd.f32 v18, v17;
	v18 =	vmul.f32 v58, v20;
	_ =	sdelay $0x1  }
0x115: {  	v17 =	vadd.f32 v18, v17;
	_ =	sdelay $0x1  }
0x116: {  	[tilespmem:$0xDF00] =	vst v17  }
0x117: {  	v17 =	vld.idx.msk [tilespmem:v1+s22+$0x0], $0xffff  }
0x118: {  	v18 =	vld.idx.msk [tilespmem:v2+s22+$0x0], $0xffff;
	_ =	sdelay $0x1  }
0x119: {  	v19 =	vld.idx.msk [tilespmem:v3+s22+$0x0], $0xffff;
	_ =	sdelay $0x1  }
0x11a: {  	v59 =	vld.idx.msk [tilespmem:v4+s22+$0x0], $0xffff  }
0x11b: {  	v17 =	vadd.f32 v18, v17  }
0x11c: {  	v18 =	vld.idx.msk [tilespmem:v5+s22+$0x0], $0xffff  }
0x11d: {  	v17 =	vadd.f32 v19, v17  }
0x11e: {  	v19 =	vld.idx.msk [tilespmem:v6+s22+$0x0], $0xffff  }
0x11f: {  	v17 =	vadd.f32 v59, v17  }
0x120: {  	v60 =	vld.idx.msk [tilespmem:v7+s22+$0x0], $0xffff  }
0x121: {  	v17 =	vadd.f32 v18, v17  }
0x122: {  	v18 =	vld.idx.msk [tilespmem:v8+s22+$0x0], $0xffff  }
0x123: {  	v17 =	vadd.f32 v19, v17  }
0x124: {  	v19 =	vld.idx.msk [tilespmem:v9+s22+$0x0], $0xffff  }
0x125: {  	v17 =	vadd.f32 v60, v17  }
0x126: {  	v61 =	vld.idx.msk [tilespmem:v10+s22+$0x0], $0xffff  }
0x127: {  	v17 =	vadd.f32 v18, v17  }
0x128: {  	v18 =	vld.idx.msk [tilespmem:v11+s22+$0x0], $0xffff  }
0x129: {  	v17 =	vadd.f32 v19, v17  }
0x12a: {  	v19 =	vld.idx.msk [tilespmem:v12+s22+$0x0], $0xffff  }
0x12b: {  	v17 =	vadd.f32 v61, v17  }
0x12c: {  	v62 =	vld.idx.msk [tilespmem:v13+s22+$0x0], $0xffff  }
0x12d: {  	v17 =	vadd.f32 v18, v17  }
0x12e: {  	v18 =	vld.idx.msk [tilespmem:v14+s22+$0x0], $0xffff  }
0x12f: {  	v17 =	vadd.f32 v19, v17  }
0x130: {  	v19 =	vld.idx.msk [tilespmem:v15+s22+$0x0], $0xffff  }
0x131: {  	v17 =	vadd.f32 v62, v17  }
0x132: {  	v63 =	vld.idx.msk [tilespmem:v16+s22+$0x0], $0xffff  }
0x133: {  	v17 =	vadd.f32 v18, v17  }
0x134: {  	p0 =	sne.s32 s26, $0x29B;
	v18 =	vadd.s32 s26, v0  }
.Ltmp0:
0x135: {  	v17 =	vadd.f32 v19, v17;
	(pc) =	sbr.rel @p0 .LBB2_3-.Ltmp0, $3  }
0x136: {  	_ = 	snop  }
0x137: {  	v17 =	vadd.f32 v63, v17;
	_ =	sdelay $0x1  }
0x138: {  	s29 =	sadd.s32 $0x40, s29;
	s28 =	sadd.s32 $0x540, s28;
	s26 =	sadd.s32 $0x15, s26;
	[tilespmem:v18+s23+$0x0] =	vst.idx.msk $0x1f, v17  }
0x139: {  	s26 =	smul.u32 $0x2A0, s25;
	_ =	sdelay $0x1  }
0x13a: {  	s25 =	sadd.s32 $0x1, s25;
	s26 =	sadd.s32 s8, s26  }
0x13b: {  	p0 =	sne.s32 s25, $0x10;
	s26 =	sshrl.u32 s26, $0x3  }
.Ltmp1:
0x13c: {  	s26 =	sadd.s32 s2, s26;
	(pc) =	sbr.rel @p0 .LBB2_2-.Ltmp1, $4  }
0x13d: {  	[hbm4b:s26+s3] =	stream.linear.scatter [tilespmem:s23], [sflag:$0x2], $0x2A0, $0x38;
	[tilespmem:$0xE020] =	vst v63  }
0x13e: {  	_ =	swait.ge [sflag:s10], $0x2A0  }
0x13f: {  	[sflag:s10] =	ssyncset.done $0x0  }
0x140: {  	[sflag:s10] =	ssyncadd.s32 $0xFFFFFD60  }
0x141: {  	s24 =	sadd.s32 $0x1, s24  }
0x142: {  	p0 =	sne.s32 s24, s9  }
.Ltmp2:
0x143: {  	_ = 	snop;
	(pc) =	sbr.rel @p0 .LBB2_1-.Ltmp2, $1  }
0x144: {  	_ =	sdelay $0x3  }
0x145: {  	_ =	sfence.sel $0x180000  }
0x146: {  	[bflag:$0x0] =	sbarrier.arrive $0xFFFF  }
0x147: {  	p0 =	sne.s32 s0, $0x0;
	_ =	strace $0x90000047  }
0x148: {  	s0 =	sadd.s32 @!p0 $0x100000, s1;
	[bflag:$0x2] =	sbarrier.arrive $0xFFFF  }
0x149: {  	[sflag:s0] =	ssyncadd.tile.s32 @!p0 $0x1;
	_ =	shalt  }
.Lfunc_end2:
_tile_overlayer_lowered:
.L_overlay_start_2:
0x14a: {  	(tag) =	ssettag $0x2  }
0x14b: {  	s0 =	rddreg [dreg:$0x0];
	s2 =	stileid.u32  }
0x14c: {  	s1 =	rddreg [dreg:$0x1];
	p0 =	sne.s32 s2, $0x0  }
0x14d: {  	s3 =	rddreg [dreg:$0x2];
	[bflag:$0x3] =	sbarrier.arrive $0xFFFF;
	s2 =	simm.s32 @!p0 $0x1C02  }
0x14e: {  	[timem:s3], [sflag:s2] =	dma.local @!p0 [hbm:s0], s1  }
0x14f: {  	s0 =	simm.s32 @!p0 $0x2  }
0x150: {  	_ =	swait.ge @!p0 [sflag:s0], s1  }
0x151: {  	s1 =	ssub.s32 @!p0 $0x0, s1;
	[sflag:s0] =	ssyncset.done @!p0 $0x0  }
0x152: {  	[sflag:s0] =	ssyncadd.s32 @!p0 s1  }
0x153: {  	[bflag:$0x3] =	sbarrier.arrive $0xFFFF  }
0x154: {  	_ =	shalt  }

</sc_bundles>
